<compile_context>
chip_gen: v7x
topology: tpu7x:2x2x1
jax: 0.10.2.dev20260603
libtpu: 0.0.44.dev20260713+nightly
codegen_flags: <defaults>
</compile_context>

<pallas_src>
import functools

import jax
import jax.numpy as jnp
from jax import lax
from jax.experimental import pallas as pl
from jax.experimental.pallas import tpu as pltpu
from jax.experimental.pallas import tpu_sc as plsc

M_ROWS = 1_000_000
D = 64
B = 16384

NC = 2
NS = 16
NW = NC * NS
L = 16

TBL = (M_ROWS + NW - 1) // NW
NV = B // L
C = 128
SL = B // NS


def _sc_body(idx_hbm, val_hbm, out_hbm, idx_sh, idx_v, tbl_v, p_v, p_row,
             v_row, rows_v, sem):
  cid = lax.axis_index("c")
  sid = lax.axis_index("s")
  wid = sid * NC + cid
  iota = lax.iota(jnp.int32, L)

  pltpu.sync_copy(idx_hbm.at[pl.ds(sid * SL, SL)],
                  idx_sh.at[pl.ds(sid * SL, SL)])
  plsc.subcore_barrier()
  pltpu.sync_copy(idx_sh, idx_v)

  UNROLL = 8

  def phase1(g, off):
    xs, ms, lastms, pcs = [], [], [], []
    for h in range(UNROLL):
      x = idx_v[pl.ds((g * UNROLL + h) * L, L)]
      m = (x & (NW - 1)) == wid
      _, lastm = plsc.scan_count(x, m)
      pc = plsc.cumsum(jnp.where(m, 1, 0))
      xs.append(x); ms.append(m); lastms.append(lastm); pcs.append(pc)
    for h in range(UNROLL):
      fpos = (g * UNROLL + h) * L + iota
      plsc.store_scatter(tbl_v, [xs[h] >> 5], fpos, mask=lastms[h])
      plsc.store_scatter(p_v, [off + pcs[h] - 1], fpos, mask=ms[h])
      off = off + plsc.all_reduce_population_count(ms[h])
    return off

  off = lax.fori_loop(0, NV // UNROLL, phase1, jnp.zeros((L,), jnp.int32))
  n = jnp.max(off)

  p_last = plsc.load_gather(
      p_v, [jnp.full((L,), jnp.maximum(n - 1, 0), jnp.int32)])
  for u in range(C // L):
    plsc.store_scatter(p_v, [n + u * L + iota], p_last)

  def stage_and_gather(k):
    b = lax.rem(k, 2)
    pr = p_row.at[b]
    vr = v_row.at[b]
    for u in range(C // L):
      t16 = k * C + u * L + iota
      p16 = plsc.load_gather(p_v, [t16])
      x16 = plsc.load_gather(idx_v, [p16])
      w16 = plsc.load_gather(tbl_v, [x16 >> 5])
      pr[pl.ds(u * L, L)] = p16
      vr[pl.ds(u * L, L)] = w16
    pltpu.async_copy(val_hbm.at[vr], rows_v.at[b], sem.at[b])

  def cond(k):
    return k * C < n

  def body(k):
    @pl.when((k + 1) * C < n)
    def _():
      stage_and_gather(k + 1)

    b = lax.rem(k, 2)
    pltpu.make_async_copy(val_hbm.at[v_row.at[b]], rows_v.at[b],
                          sem.at[b]).wait()
    pltpu.sync_copy(rows_v.at[b], out_hbm.at[p_row.at[b]])
    return k + 1

  @pl.when(n > 0)
  def _():
    stage_and_gather(jnp.int32(0))

  lax.while_loop(cond, body, jnp.int32(0))


@jax.jit
def _run(idx, val):
  mesh = plsc.VectorSubcoreMesh(core_axis_name="c", subcore_axis_name="s",
                                num_cores=NC, num_subcores=NS)
  return pl.kernel(
      _sc_body,
      out_type=jax.ShapeDtypeStruct((B, D), jnp.float32),
      mesh=mesh,
      compiler_params=pltpu.CompilerParams(needs_layout_passes=False,
                                           use_tc_tiling_on_sc=False,
                                           skip_device_barrier=True),
      scratch_types=[
          pltpu.VMEM_SHARED((B,), jnp.int32),
          pltpu.VMEM((B,), jnp.int32),
          pltpu.VMEM((TBL,), jnp.int32),
          pltpu.VMEM((B + C,), jnp.int32),
          pltpu.VMEM((2, C), jnp.int32),
          pltpu.VMEM((2, C), jnp.int32),
          pltpu.VMEM((2, C, D), jnp.float32),
          pltpu.SemaphoreType.DMA((2,)),
      ],
  )(idx, val)


def kernel(mem, idx, val):
  del mem
  return _run(idx.astype(jnp.int32), val)

# --- scband reference (transcript-rebuilt; emitter-appended) ---
"""Pipeline reference for scband-memory-56487409877346 (READ-ONLY COPY).

The authoritative reference and input builder live on the scoring server;
editing this copy changes nothing except your own understanding.
"""

import jax, jax.numpy as jnp
import numpy as np

M = 1000000
D = 64
B = 16384

def setup_inputs(seed: int = 0) -> dict:
    key = jax.random.key(seed)
    k1, k2, k3 = jax.random.split(key, 3)
    mem = jax.random.normal(k1, (M, D), dtype=jnp.float32)
    idx = jax.random.randint(k2, (B,), 0, M, dtype=jnp.int64)
    val = jax.random.normal(k3, (B, D), dtype=jnp.float32)
    return {"mem": mem, "idx": idx, "val": val}

def reference(mem, idx, val):
    # set_memory: scatter-overwrite rows of the node memory
    new_mem = mem.at[idx].set(val)
    # get_memory: gather back the memory for the updated nodes
    out = new_mem[idx, :]
    return out

if __name__ == "__main__":
    import jax
    _d = setup_inputs()
    print(jax.jit(kernel)(*tuple(_d.values())))

</pallas_src>

<mosaic_0001>
#map = affine_map<(d0, d1) -> (0)>
#map1 = affine_map<(d0, d1) -> (0, 0)>
module attributes {stable_mosaic.version = 14 : i64} {
  func.func @_sc_body(%arg0: i32, %arg1: i32, %arg2: memref<16384xi32, #tpu.memory_space<hbm>>, %arg3: memref<16384x64xf32, #tpu.memory_space<hbm>>, %arg4: memref<16384x64xf32, #tpu.memory_space<hbm>>, %arg5: memref<16384xi32, #tpu.memory_space<vmem_shared>>, %arg6: memref<16384xi32, #tpu.memory_space<vmem>>, %arg7: memref<31250xi32, #tpu.memory_space<vmem>>, %arg8: memref<16512xi32, #tpu.memory_space<vmem>>, %arg9: memref<2x128xi32, #tpu.memory_space<vmem>>, %arg10: memref<2x128xi32, #tpu.memory_space<vmem>>, %arg11: memref<2x128x64xf32, #tpu.memory_space<vmem>>, %arg12: memref<2x!tpu.dma_semaphore, #tpu.memory_space<semaphore_mem>>) attributes {dimension_semantics = [#tpu.dimension_semantics<core_parallel>, #tpu.dimension_semantics<subcore_parallel>], iteration_bounds = array<i64: 2, 16>, scalar_prefetch = 0 : i64, scratch_operands = 8 : i64, tpu.core_type = #tpu.core_type<sc_vector_subcore>, window_params = [{transform_indices = #map}, {transform_indices = #map1}, {transform_indices = #map1}]} {
    %mul3A = arith.constant 2 : i32
    %mul3A_0 = arith.muli %arg1, %mul3A : i32
    %add3A = arith.addi %mul3A_0, %arg0 : i32
    %iota3A = tpu.iota {dimensions = array<i32: 0>} : vector<16xi32>
    %mul3A_1 = arith.constant 1024 : i32
    %mul3A_2 = arith.muli %arg1, %mul3A_1 : i32
    %mul3A_3 = arith.constant 1024 : i32
    %mul3A_4 = arith.muli %arg1, %mul3A_3 : i32
    "tpu.region"() ({
      %run_scoped3A = tpu.sem_alloc : memref<!tpu.dma_semaphore, #tpu.memory_space<semaphore_mem>>
      %dma_start3A = tpu.memref_slice %arg5[%mul3A_4] : memref<16384xi32, #tpu.memory_space<vmem_shared>> -> memref<1024xi32, #tpu.memory_space<vmem_shared>>
      %dma_start3A_56 = tpu.memref_slice %arg2[%mul3A_2] : memref<16384xi32, #tpu.memory_space<hbm>> -> memref<1024xi32, #tpu.memory_space<hbm>>
      tpu.enqueue_dma source(%dma_start3A_56 : memref<1024xi32, #tpu.memory_space<hbm>>) target(%dma_start3A : memref<1024xi32, #tpu.memory_space<vmem_shared>>) target_semaphore(%run_scoped3A : memref<!tpu.dma_semaphore, #tpu.memory_space<semaphore_mem>>)
      %dma_wait3A = tpu.memref_slice %arg5[%mul3A_4] : memref<16384xi32, #tpu.memory_space<vmem_shared>> -> memref<1024xi32, #tpu.memory_space<vmem_shared>>
      %dma_wait3A_57 = tpu.memref_slice %arg2[%mul3A_2] : memref<16384xi32, #tpu.memory_space<hbm>> -> memref<1024xi32, #tpu.memory_space<hbm>>
      tpu.wait_dma2 semaphore(%run_scoped3A : memref<!tpu.dma_semaphore, #tpu.memory_space<semaphore_mem>>) src(%dma_wait3A_57 : memref<1024xi32, #tpu.memory_space<hbm>>) dst(%dma_wait3A : memref<1024xi32, #tpu.memory_space<vmem_shared>>)
      tpu.yield
    }) : () -> ()
    %barrier3A = arith.constant 0 : index
    tpu.barrier barrier_id(%barrier3A)
    "tpu.region"() ({
      %run_scoped3A = tpu.sem_alloc : memref<!tpu.dma_semaphore, #tpu.memory_space<semaphore_mem>>
      tpu.enqueue_dma source(%arg5 : memref<16384xi32, #tpu.memory_space<vmem_shared>>) target(%arg6 : memref<16384xi32, #tpu.memory_space<vmem>>) target_semaphore(%run_scoped3A : memref<!tpu.dma_semaphore, #tpu.memory_space<semaphore_mem>>)
      tpu.wait_dma2 semaphore(%run_scoped3A : memref<!tpu.dma_semaphore, #tpu.memory_space<semaphore_mem>>) src(%arg5 : memref<16384xi32, #tpu.memory_space<vmem_shared>>) dst(%arg6 : memref<16384xi32, #tpu.memory_space<vmem>>)
      tpu.yield
    }) : () -> ()
    %broadcast_in_dim3A = arith.constant 0 : i32
    %broadcast_in_dim3A_5 = vector.broadcast %broadcast_in_dim3A : i32 to vector<16xi32>
    %scan3A = arith.constant 0 : i32
    %scan3A_6 = arith.constant 128 : i32
    %scan3A_7 = arith.addi %scan3A, %scan3A_6 : i32
    %scan3A_8 = arith.constant 1 : i32
    %scan3A_9 = scf.for %scan3A_56 = %scan3A to %scan3A_7 step %scan3A_8 iter_args(%scan3A_57 = %broadcast_in_dim3A_5) -> (vector<16xi32>)  : i32 {
      %mul3A_58 = arith.constant 8 : i32
      %mul3A_59 = arith.muli %scan3A_56, %mul3A_58 : i32
      %add3A_60 = arith.constant 0 : i32
      %add3A_61 = arith.addi %mul3A_59, %add3A_60 : i32
      %mul3A_62 = arith.constant 16 : i32
      %mul3A_63 = arith.muli %add3A_61, %mul3A_62 : i32
      %get3A = arith.index_cast %mul3A_63 : i32 to index
      %get3A_64 = tpu.vector_load %arg6[%get3A] {strides = array<i32>} : memref<16384xi32, #tpu.memory_space<vmem>>, vector<16xi32>,
      %and3A = arith.constant 31 : i32
      %and3A_65 = vector.broadcast %and3A : i32 to vector<16xi32>
      %and3A_66 = arith.andi %get3A_64, %and3A_65 : vector<16xi32>
      %eq3A = vector.broadcast %add3A : i32 to vector<16xi32>
      %eq3A_67 = arith.cmpi eq, %and3A_66, %eq3A : vector<16xi32>
      %unique3A, %unique3A_68 = tpu.scan_count mask(%eq3A_67 : vector<16xi1>) value(%get3A_64 : vector<16xi32>) : vector<16xi1>, vector<16xi32>
      %jit3A = arith.constant 1 : i32
      %jit3A_69 = arith.constant 0 : i32
      %broadcast_in_dim3A_70 = vector.broadcast %jit3A : i32 to vector<16xi32>
      %broadcast_in_dim3A_71 = vector.broadcast %jit3A_69 : i32 to vector<16xi32>
      %select_n3A = arith.select %eq3A_67, %broadcast_in_dim3A_70, %broadcast_in_dim3A_71 : vector<16xi1>, vector<16xi32>
      %broadcast_in_dim3A_72 = arith.constant true
      %broadcast_in_dim3A_73 = vector.broadcast %broadcast_in_dim3A_72 : i1 to vector<16xi1>
      %masked_cumsum3A = tpu.scan <sum>, %select_n3A masked %broadcast_in_dim3A_73 : vector<16xi32>, vector<16xi1> -> vector<16xi32>
      %mul3A_74 = arith.constant 8 : i32
      %mul3A_75 = arith.muli %scan3A_56, %mul3A_74 : i32
      %add3A_76 = arith.constant 1 : i32
      %add3A_77 = arith.addi %mul3A_75, %add3A_76 : i32
      %mul3A_78 = arith.constant 16 : i32
      %mul3A_79 = arith.muli %add3A_77, %mul3A_78 : i32
      %get3A_80 = arith.index_cast %mul3A_79 : i32 to index
      %get3A_81 = tpu.vector_load %arg6[%get3A_80] {strides = array<i32>} : memref<16384xi32, #tpu.memory_space<vmem>>, vector<16xi32>,
      %and3A_82 = arith.constant 31 : i32
      %and3A_83 = vector.broadcast %and3A_82 : i32 to vector<16xi32>
      %and3A_84 = arith.andi %get3A_81, %and3A_83 : vector<16xi32>
      %eq3A_85 = vector.broadcast %add3A : i32 to vector<16xi32>
      %eq3A_86 = arith.cmpi eq, %and3A_84, %eq3A_85 : vector<16xi32>
      %unique3A_87, %unique3A_88 = tpu.scan_count mask(%eq3A_86 : vector<16xi1>) value(%get3A_81 : vector<16xi32>) : vector<16xi1>, vector<16xi32>
      %jit3A_89 = arith.constant 1 : i32
      %jit3A_90 = arith.constant 0 : i32
      %broadcast_in_dim3A_91 = vector.broadcast %jit3A_89 : i32 to vector<16xi32>
      %broadcast_in_dim3A_92 = vector.broadcast %jit3A_90 : i32 to vector<16xi32>
      %select_n3A_93 = arith.select %eq3A_86, %broadcast_in_dim3A_91, %broadcast_in_dim3A_92 : vector<16xi1>, vector<16xi32>
      %broadcast_in_dim3A_94 = arith.constant true
      %broadcast_in_dim3A_95 = vector.broadcast %broadcast_in_dim3A_94 : i1 to vector<16xi1>
      %masked_cumsum3A_96 = tpu.scan <sum>, %select_n3A_93 masked %broadcast_in_dim3A_95 : vector<16xi32>, vector<16xi1> -> vector<16xi32>
      %mul3A_97 = arith.constant 8 : i32
      %mul3A_98 = arith.muli %scan3A_56, %mul3A_97 : i32
      %add3A_99 = arith.constant 2 : i32
      %add3A_100 = arith.addi %mul3A_98, %add3A_99 : i32
      %mul3A_101 = arith.constant 16 : i32
      %mul3A_102 = arith.muli %add3A_100, %mul3A_101 : i32
      %get3A_103 = arith.index_cast %mul3A_102 : i32 to index
      %get3A_104 = tpu.vector_load %arg6[%get3A_103] {strides = array<i32>} : memref<16384xi32, #tpu.memory_space<vmem>>, vector<16xi32>,
      %and3A_105 = arith.constant 31 : i32
      %and3A_106 = vector.broadcast %and3A_105 : i32 to vector<16xi32>
      %and3A_107 = arith.andi %get3A_104, %and3A_106 : vector<16xi32>
      %eq3A_108 = vector.broadcast %add3A : i32 to vector<16xi32>
      %eq3A_109 = arith.cmpi eq, %and3A_107, %eq3A_108 : vector<16xi32>
      %unique3A_110, %unique3A_111 = tpu.scan_count mask(%eq3A_109 : vector<16xi1>) value(%get3A_104 : vector<16xi32>) : vector<16xi1>, vector<16xi32>
      %jit3A_112 = arith.constant 1 : i32
      %jit3A_113 = arith.constant 0 : i32
      %broadcast_in_dim3A_114 = vector.broadcast %jit3A_112 : i32 to vector<16xi32>
      %broadcast_in_dim3A_115 = vector.broadcast %jit3A_113 : i32 to vector<16xi32>
      %select_n3A_116 = arith.select %eq3A_109, %broadcast_in_dim3A_114, %broadcast_in_dim3A_115 : vector<16xi1>, vector<16xi32>
      %broadcast_in_dim3A_117 = arith.constant true
      %broadcast_in_dim3A_118 = vector.broadcast %broadcast_in_dim3A_117 : i1 to vector<16xi1>
      %masked_cumsum3A_119 = tpu.scan <sum>, %select_n3A_116 masked %broadcast_in_dim3A_118 : vector<16xi32>, vector<16xi1> -> vector<16xi32>
      %mul3A_120 = arith.constant 8 : i32
      %mul3A_121 = arith.muli %scan3A_56, %mul3A_120 : i32
      %add3A_122 = arith.constant 3 : i32
      %add3A_123 = arith.addi %mul3A_121, %add3A_122 : i32
      %mul3A_124 = arith.constant 16 : i32
      %mul3A_125 = arith.muli %add3A_123, %mul3A_124 : i32
      %get3A_126 = arith.index_cast %mul3A_125 : i32 to index
      %get3A_127 = tpu.vector_load %arg6[%get3A_126] {strides = array<i32>} : memref<16384xi32, #tpu.memory_space<vmem>>, vector<16xi32>,
      %and3A_128 = arith.constant 31 : i32
      %and3A_129 = vector.broadcast %and3A_128 : i32 to vector<16xi32>
      %and3A_130 = arith.andi %get3A_127, %and3A_129 : vector<16xi32>
      %eq3A_131 = vector.broadcast %add3A : i32 to vector<16xi32>
      %eq3A_132 = arith.cmpi eq, %and3A_130, %eq3A_131 : vector<16xi32>
      %unique3A_133, %unique3A_134 = tpu.scan_count mask(%eq3A_132 : vector<16xi1>) value(%get3A_127 : vector<16xi32>) : vector<16xi1>, vector<16xi32>
      %jit3A_135 = arith.constant 1 : i32
      %jit3A_136 = arith.constant 0 : i32
      %broadcast_in_dim3A_137 = vector.broadcast %jit3A_135 : i32 to vector<16xi32>
      %broadcast_in_dim3A_138 = vector.broadcast %jit3A_136 : i32 to vector<16xi32>
      %select_n3A_139 = arith.select %eq3A_132, %broadcast_in_dim3A_137, %broadcast_in_dim3A_138 : vector<16xi1>, vector<16xi32>
      %broadcast_in_dim3A_140 = arith.constant true
      %broadcast_in_dim3A_141 = vector.broadcast %broadcast_in_dim3A_140 : i1 to vector<16xi1>
      %masked_cumsum3A_142 = tpu.scan <sum>, %select_n3A_139 masked %broadcast_in_dim3A_141 : vector<16xi32>, vector<16xi1> -> vector<16xi32>
      %mul3A_143 = arith.constant 8 : i32
      %mul3A_144 = arith.muli %scan3A_56, %mul3A_143 : i32
      %add3A_145 = arith.constant 4 : i32
      %add3A_146 = arith.addi %mul3A_144, %add3A_145 : i32
      %mul3A_147 = arith.constant 16 : i32
      %mul3A_148 = arith.muli %add3A_146, %mul3A_147 : i32
      %get3A_149 = arith.index_cast %mul3A_148 : i32 to index
      %get3A_150 = tpu.vector_load %arg6[%get3A_149] {strides = array<i32>} : memref<16384xi32, #tpu.memory_space<vmem>>, vector<16xi32>,
      %and3A_151 = arith.constant 31 : i32
      %and3A_152 = vector.broadcast %and3A_151 : i32 to vector<16xi32>
      %and3A_153 = arith.andi %get3A_150, %and3A_152 : vector<16xi32>
      %eq3A_154 = vector.broadcast %add3A : i32 to vector<16xi32>
      %eq3A_155 = arith.cmpi eq, %and3A_153, %eq3A_154 : vector<16xi32>
      %unique3A_156, %unique3A_157 = tpu.scan_count mask(%eq3A_155 : vector<16xi1>) value(%get3A_150 : vector<16xi32>) : vector<16xi1>, vector<16xi32>
      %jit3A_158 = arith.constant 1 : i32
      %jit3A_159 = arith.constant 0 : i32
      %broadcast_in_dim3A_160 = vector.broadcast %jit3A_158 : i32 to vector<16xi32>
      %broadcast_in_dim3A_161 = vector.broadcast %jit3A_159 : i32 to vector<16xi32>
      %select_n3A_162 = arith.select %eq3A_155, %broadcast_in_dim3A_160, %broadcast_in_dim3A_161 : vector<16xi1>, vector<16xi32>
      %broadcast_in_dim3A_163 = arith.constant true
      %broadcast_in_dim3A_164 = vector.broadcast %broadcast_in_dim3A_163 : i1 to vector<16xi1>
      %masked_cumsum3A_165 = tpu.scan <sum>, %select_n3A_162 masked %broadcast_in_dim3A_164 : vector<16xi32>, vector<16xi1> -> vector<16xi32>
      %mul3A_166 = arith.constant 8 : i32
      %mul3A_167 = arith.muli %scan3A_56, %mul3A_166 : i32
      %add3A_168 = arith.constant 5 : i32
      %add3A_169 = arith.addi %mul3A_167, %add3A_168 : i32
      %mul3A_170 = arith.constant 16 : i32
      %mul3A_171 = arith.muli %add3A_169, %mul3A_170 : i32
      %get3A_172 = arith.index_cast %mul3A_171 : i32 to index
      %get3A_173 = tpu.vector_load %arg6[%get3A_172] {strides = array<i32>} : memref<16384xi32, #tpu.memory_space<vmem>>, vector<16xi32>,
      %and3A_174 = arith.constant 31 : i32
      %and3A_175 = vector.broadcast %and3A_174 : i32 to vector<16xi32>
      %and3A_176 = arith.andi %get3A_173, %and3A_175 : vector<16xi32>
      %eq3A_177 = vector.broadcast %add3A : i32 to vector<16xi32>
      %eq3A_178 = arith.cmpi eq, %and3A_176, %eq3A_177 : vector<16xi32>
      %unique3A_179, %unique3A_180 = tpu.scan_count mask(%eq3A_178 : vector<16xi1>) value(%get3A_173 : vector<16xi32>) : vector<16xi1>, vector<16xi32>
      %jit3A_181 = arith.constant 1 : i32
      %jit3A_182 = arith.constant 0 : i32
      %broadcast_in_dim3A_183 = vector.broadcast %jit3A_181 : i32 to vector<16xi32>
      %broadcast_in_dim3A_184 = vector.broadcast %jit3A_182 : i32 to vector<16xi32>
      %select_n3A_185 = arith.select %eq3A_178, %broadcast_in_dim3A_183, %broadcast_in_dim3A_184 : vector<16xi1>, vector<16xi32>
      %broadcast_in_dim3A_186 = arith.constant true
      %broadcast_in_dim3A_187 = vector.broadcast %broadcast_in_dim3A_186 : i1 to vector<16xi1>
      %masked_cumsum3A_188 = tpu.scan <sum>, %select_n3A_185 masked %broadcast_in_dim3A_187 : vector<16xi32>, vector<16xi1> -> vector<16xi32>
      %mul3A_189 = arith.constant 8 : i32
      %mul3A_190 = arith.muli %scan3A_56, %mul3A_189 : i32
      %add3A_191 = arith.constant 6 : i32
      %add3A_192 = arith.addi %mul3A_190, %add3A_191 : i32
      %mul3A_193 = arith.constant 16 : i32
      %mul3A_194 = arith.muli %add3A_192, %mul3A_193 : i32
      %get3A_195 = arith.index_cast %mul3A_194 : i32 to index
      %get3A_196 = tpu.vector_load %arg6[%get3A_195] {strides = array<i32>} : memref<16384xi32, #tpu.memory_space<vmem>>, vector<16xi32>,
      %and3A_197 = arith.constant 31 : i32
      %and3A_198 = vector.broadcast %and3A_197 : i32 to vector<16xi32>
      %and3A_199 = arith.andi %get3A_196, %and3A_198 : vector<16xi32>
      %eq3A_200 = vector.broadcast %add3A : i32 to vector<16xi32>
      %eq3A_201 = arith.cmpi eq, %and3A_199, %eq3A_200 : vector<16xi32>
      %unique3A_202, %unique3A_203 = tpu.scan_count mask(%eq3A_201 : vector<16xi1>) value(%get3A_196 : vector<16xi32>) : vector<16xi1>, vector<16xi32>
      %jit3A_204 = arith.constant 1 : i32
      %jit3A_205 = arith.constant 0 : i32
      %broadcast_in_dim3A_206 = vector.broadcast %jit3A_204 : i32 to vector<16xi32>
      %broadcast_in_dim3A_207 = vector.broadcast %jit3A_205 : i32 to vector<16xi32>
      %select_n3A_208 = arith.select %eq3A_201, %broadcast_in_dim3A_206, %broadcast_in_dim3A_207 : vector<16xi1>, vector<16xi32>
      %broadcast_in_dim3A_209 = arith.constant true
      %broadcast_in_dim3A_210 = vector.broadcast %broadcast_in_dim3A_209 : i1 to vector<16xi1>
      %masked_cumsum3A_211 = tpu.scan <sum>, %select_n3A_208 masked %broadcast_in_dim3A_210 : vector<16xi32>, vector<16xi1> -> vector<16xi32>
      %mul3A_212 = arith.constant 8 : i32
      %mul3A_213 = arith.muli %scan3A_56, %mul3A_212 : i32
      %add3A_214 = arith.constant 7 : i32
      %add3A_215 = arith.addi %mul3A_213, %add3A_214 : i32
      %mul3A_216 = arith.constant 16 : i32
      %mul3A_217 = arith.muli %add3A_215, %mul3A_216 : i32
      %get3A_218 = arith.index_cast %mul3A_217 : i32 to index
      %get3A_219 = tpu.vector_load %arg6[%get3A_218] {strides = array<i32>} : memref<16384xi32, #tpu.memory_space<vmem>>, vector<16xi32>,
      %and3A_220 = arith.constant 31 : i32
      %and3A_221 = vector.broadcast %and3A_220 : i32 to vector<16xi32>
      %and3A_222 = arith.andi %get3A_219, %and3A_221 : vector<16xi32>
      %eq3A_223 = vector.broadcast %add3A : i32 to vector<16xi32>
      %eq3A_224 = arith.cmpi eq, %and3A_222, %eq3A_223 : vector<16xi32>
      %unique3A_225, %unique3A_226 = tpu.scan_count mask(%eq3A_224 : vector<16xi1>) value(%get3A_219 : vector<16xi32>) : vector<16xi1>, vector<16xi32>
      %jit3A_227 = arith.constant 1 : i32
      %jit3A_228 = arith.constant 0 : i32
      %broadcast_in_dim3A_229 = vector.broadcast %jit3A_227 : i32 to vector<16xi32>
      %broadcast_in_dim3A_230 = vector.broadcast %jit3A_228 : i32 to vector<16xi32>
      %select_n3A_231 = arith.select %eq3A_224, %broadcast_in_dim3A_229, %broadcast_in_dim3A_230 : vector<16xi1>, vector<16xi32>
      %broadcast_in_dim3A_232 = arith.constant true
      %broadcast_in_dim3A_233 = vector.broadcast %broadcast_in_dim3A_232 : i1 to vector<16xi1>
      %masked_cumsum3A_234 = tpu.scan <sum>, %select_n3A_231 masked %broadcast_in_dim3A_233 : vector<16xi32>, vector<16xi1> -> vector<16xi32>
      %mul3A_235 = arith.constant 8 : i32
      %mul3A_236 = arith.muli %scan3A_56, %mul3A_235 : i32
      %add3A_237 = arith.constant 0 : i32
      %add3A_238 = arith.addi %mul3A_236, %add3A_237 : i32
      %mul3A_239 = arith.constant 16 : i32
      %mul3A_240 = arith.muli %add3A_238, %mul3A_239 : i32
      %add3A_241 = vector.broadcast %mul3A_240 : i32 to vector<16xi32>
      %add3A_242 = arith.addi %add3A_241, %iota3A : vector<16xi32>
      %shift_right_arithmetic3A = arith.constant 5 : i32
      %shift_right_arithmetic3A_243 = vector.broadcast %shift_right_arithmetic3A : i32 to vector<16xi32>
      %shift_right_arithmetic3A_244 = arith.shrsi %get3A_64, %shift_right_arithmetic3A_243 : vector<16xi32>
      tpu.vector_store_idx %arg7[%shift_right_arithmetic3A_244], %add3A_242 masked %unique3A : memref<31250xi32, #tpu.memory_space<vmem>>[vector<16xi32>], vector<16xi32>, vector<16xi1>
      %add3A_245 = arith.addi %scan3A_57, %masked_cumsum3A : vector<16xi32>
      %sub3A_246 = arith.constant 1 : i32
      %sub3A_247 = vector.broadcast %sub3A_246 : i32 to vector<16xi32>
      %sub3A_248 = arith.subi %add3A_245, %sub3A_247 : vector<16xi32>
      tpu.vector_store_idx %arg8[%sub3A_248], %add3A_242 masked %eq3A_67 : memref<16512xi32, #tpu.memory_space<vmem>>[vector<16xi32>], vector<16xi32>, vector<16xi1>
      %all_reduce_population_count3A = tpu.all_reduce %eq3A_67 {dim = 0 : i64, kind = #tpu.reduction_kind<sum>} : vector<16xi1> -> vector<16xi32>
      %add3A_249 = arith.addi %scan3A_57, %all_reduce_population_count3A : vector<16xi32>
      %mul3A_250 = arith.constant 8 : i32
      %mul3A_251 = arith.muli %scan3A_56, %mul3A_250 : i32
      %add3A_252 = arith.constant 1 : i32
      %add3A_253 = arith.addi %mul3A_251, %add3A_252 : i32
      %mul3A_254 = arith.constant 16 : i32
      %mul3A_255 = arith.muli %add3A_253, %mul3A_254 : i32
      %add3A_256 = vector.broadcast %mul3A_255 : i32 to vector<16xi32>
      %add3A_257 = arith.addi %add3A_256, %iota3A : vector<16xi32>
      %shift_right_arithmetic3A_258 = arith.constant 5 : i32
      %shift_right_arithmetic3A_259 = vector.broadcast %shift_right_arithmetic3A_258 : i32 to vector<16xi32>
      %shift_right_arithmetic3A_260 = arith.shrsi %get3A_81, %shift_right_arithmetic3A_259 : vector<16xi32>
      tpu.vector_store_idx %arg7[%shift_right_arithmetic3A_260], %add3A_257 masked %unique3A_87 : memref<31250xi32, #tpu.memory_space<vmem>>[vector<16xi32>], vector<16xi32>, vector<16xi1>
      %add3A_261 = arith.addi %add3A_249, %masked_cumsum3A_96 : vector<16xi32>
      %sub3A_262 = arith.constant 1 : i32
      %sub3A_263 = vector.broadcast %sub3A_262 : i32 to vector<16xi32>
      %sub3A_264 = arith.subi %add3A_261, %sub3A_263 : vector<16xi32>
      tpu.vector_store_idx %arg8[%sub3A_264], %add3A_257 masked %eq3A_86 : memref<16512xi32, #tpu.memory_space<vmem>>[vector<16xi32>], vector<16xi32>, vector<16xi1>
      %all_reduce_population_count3A_265 = tpu.all_reduce %eq3A_86 {dim = 0 : i64, kind = #tpu.reduction_kind<sum>} : vector<16xi1> -> vector<16xi32>
      %add3A_266 = arith.addi %add3A_249, %all_reduce_population_count3A_265 : vector<16xi32>
      %mul3A_267 = arith.constant 8 : i32
      %mul3A_268 = arith.muli %scan3A_56, %mul3A_267 : i32
      %add3A_269 = arith.constant 2 : i32
      %add3A_270 = arith.addi %mul3A_268, %add3A_269 : i32
      %mul3A_271 = arith.constant 16 : i32
      %mul3A_272 = arith.muli %add3A_270, %mul3A_271 : i32
      %add3A_273 = vector.broadcast %mul3A_272 : i32 to vector<16xi32>
      %add3A_274 = arith.addi %add3A_273, %iota3A : vector<16xi32>
      %shift_right_arithmetic3A_275 = arith.constant 5 : i32
      %shift_right_arithmetic3A_276 = vector.broadcast %shift_right_arithmetic3A_275 : i32 to vector<16xi32>
      %shift_right_arithmetic3A_277 = arith.shrsi %get3A_104, %shift_right_arithmetic3A_276 : vector<16xi32>
      tpu.vector_store_idx %arg7[%shift_right_arithmetic3A_277], %add3A_274 masked %unique3A_110 : memref<31250xi32, #tpu.memory_space<vmem>>[vector<16xi32>], vector<16xi32>, vector<16xi1>
      %add3A_278 = arith.addi %add3A_266, %masked_cumsum3A_119 : vector<16xi32>
      %sub3A_279 = arith.constant 1 : i32
      %sub3A_280 = vector.broadcast %sub3A_279 : i32 to vector<16xi32>
      %sub3A_281 = arith.subi %add3A_278, %sub3A_280 : vector<16xi32>
      tpu.vector_store_idx %arg8[%sub3A_281], %add3A_274 masked %eq3A_109 : memref<16512xi32, #tpu.memory_space<vmem>>[vector<16xi32>], vector<16xi32>, vector<16xi1>
      %all_reduce_population_count3A_282 = tpu.all_reduce %eq3A_109 {dim = 0 : i64, kind = #tpu.reduction_kind<sum>} : vector<16xi1> -> vector<16xi32>
      %add3A_283 = arith.addi %add3A_266, %all_reduce_population_count3A_282 : vector<16xi32>
      %mul3A_284 = arith.constant 8 : i32
      %mul3A_285 = arith.muli %scan3A_56, %mul3A_284 : i32
      %add3A_286 = arith.constant 3 : i32
      %add3A_287 = arith.addi %mul3A_285, %add3A_286 : i32
      %mul3A_288 = arith.constant 16 : i32
      %mul3A_289 = arith.muli %add3A_287, %mul3A_288 : i32
      %add3A_290 = vector.broadcast %mul3A_289 : i32 to vector<16xi32>
      %add3A_291 = arith.addi %add3A_290, %iota3A : vector<16xi32>
      %shift_right_arithmetic3A_292 = arith.constant 5 : i32
      %shift_right_arithmetic3A_293 = vector.broadcast %shift_right_arithmetic3A_292 : i32 to vector<16xi32>
      %shift_right_arithmetic3A_294 = arith.shrsi %get3A_127, %shift_right_arithmetic3A_293 : vector<16xi32>
      tpu.vector_store_idx %arg7[%shift_right_arithmetic3A_294], %add3A_291 masked %unique3A_133 : memref<31250xi32, #tpu.memory_space<vmem>>[vector<16xi32>], vector<16xi32>, vector<16xi1>
      %add3A_295 = arith.addi %add3A_283, %masked_cumsum3A_142 : vector<16xi32>
      %sub3A_296 = arith.constant 1 : i32
      %sub3A_297 = vector.broadcast %sub3A_296 : i32 to vector<16xi32>
      %sub3A_298 = arith.subi %add3A_295, %sub3A_297 : vector<16xi32>
      tpu.vector_store_idx %arg8[%sub3A_298], %add3A_291 masked %eq3A_132 : memref<16512xi32, #tpu.memory_space<vmem>>[vector<16xi32>], vector<16xi32>, vector<16xi1>
      %all_reduce_population_count3A_299 = tpu.all_reduce %eq3A_132 {dim = 0 : i64, kind = #tpu.reduction_kind<sum>} : vector<16xi1> -> vector<16xi32>
      %add3A_300 = arith.addi %add3A_283, %all_reduce_population_count3A_299 : vector<16xi32>
      %mul3A_301 = arith.constant 8 : i32
      %mul3A_302 = arith.muli %scan3A_56, %mul3A_301 : i32
      %add3A_303 = arith.constant 4 : i32
      %add3A_304 = arith.addi %mul3A_302, %add3A_303 : i32
      %mul3A_305 = arith.constant 16 : i32
      %mul3A_306 = arith.muli %add3A_304, %mul3A_305 : i32
      %add3A_307 = vector.broadcast %mul3A_306 : i32 to vector<16xi32>
      %add3A_308 = arith.addi %add3A_307, %iota3A : vector<16xi32>
      %shift_right_arithmetic3A_309 = arith.constant 5 : i32
      %shift_right_arithmetic3A_310 = vector.broadcast %shift_right_arithmetic3A_309 : i32 to vector<16xi32>
      %shift_right_arithmetic3A_311 = arith.shrsi %get3A_150, %shift_right_arithmetic3A_310 : vector<16xi32>
      tpu.vector_store_idx %arg7[%shift_right_arithmetic3A_311], %add3A_308 masked %unique3A_156 : memref<31250xi32, #tpu.memory_space<vmem>>[vector<16xi32>], vector<16xi32>, vector<16xi1>
      %add3A_312 = arith.addi %add3A_300, %masked_cumsum3A_165 : vector<16xi32>
      %sub3A_313 = arith.constant 1 : i32
      %sub3A_314 = vector.broadcast %sub3A_313 : i32 to vector<16xi32>
      %sub3A_315 = arith.subi %add3A_312, %sub3A_314 : vector<16xi32>
      tpu.vector_store_idx %arg8[%sub3A_315], %add3A_308 masked %eq3A_155 : memref<16512xi32, #tpu.memory_space<vmem>>[vector<16xi32>], vector<16xi32>, vector<16xi1>
      %all_reduce_population_count3A_316 = tpu.all_reduce %eq3A_155 {dim = 0 : i64, kind = #tpu.reduction_kind<sum>} : vector<16xi1> -> vector<16xi32>
      %add3A_317 = arith.addi %add3A_300, %all_reduce_population_count3A_316 : vector<16xi32>
      %mul3A_318 = arith.constant 8 : i32
      %mul3A_319 = arith.muli %scan3A_56, %mul3A_318 : i32
      %add3A_320 = arith.constant 5 : i32
      %add3A_321 = arith.addi %mul3A_319, %add3A_320 : i32
      %mul3A_322 = arith.constant 16 : i32
      %mul3A_323 = arith.muli %add3A_321, %mul3A_322 : i32
      %add3A_324 = vector.broadcast %mul3A_323 : i32 to vector<16xi32>
      %add3A_325 = arith.addi %add3A_324, %iota3A : vector<16xi32>
      %shift_right_arithmetic3A_326 = arith.constant 5 : i32
      %shift_right_arithmetic3A_327 = vector.broadcast %shift_right_arithmetic3A_326 : i32 to vector<16xi32>
      %shift_right_arithmetic3A_328 = arith.shrsi %get3A_173, %shift_right_arithmetic3A_327 : vector<16xi32>
      tpu.vector_store_idx %arg7[%shift_right_arithmetic3A_328], %add3A_325 masked %unique3A_179 : memref<31250xi32, #tpu.memory_space<vmem>>[vector<16xi32>], vector<16xi32>, vector<16xi1>
      %add3A_329 = arith.addi %add3A_317, %masked_cumsum3A_188 : vector<16xi32>
      %sub3A_330 = arith.constant 1 : i32
      %sub3A_331 = vector.broadcast %sub3A_330 : i32 to vector<16xi32>
      %sub3A_332 = arith.subi %add3A_329, %sub3A_331 : vector<16xi32>
      tpu.vector_store_idx %arg8[%sub3A_332], %add3A_325 masked %eq3A_178 : memref<16512xi32, #tpu.memory_space<vmem>>[vector<16xi32>], vector<16xi32>, vector<16xi1>
      %all_reduce_population_count3A_333 = tpu.all_reduce %eq3A_178 {dim = 0 : i64, kind = #tpu.reduction_kind<sum>} : vector<16xi1> -> vector<16xi32>
      %add3A_334 = arith.addi %add3A_317, %all_reduce_population_count3A_333 : vector<16xi32>
      %mul3A_335 = arith.constant 8 : i32
      %mul3A_336 = arith.muli %scan3A_56, %mul3A_335 : i32
      %add3A_337 = arith.constant 6 : i32
      %add3A_338 = arith.addi %mul3A_336, %add3A_337 : i32
      %mul3A_339 = arith.constant 16 : i32
      %mul3A_340 = arith.muli %add3A_338, %mul3A_339 : i32
      %add3A_341 = vector.broadcast %mul3A_340 : i32 to vector<16xi32>
      %add3A_342 = arith.addi %add3A_341, %iota3A : vector<16xi32>
      %shift_right_arithmetic3A_343 = arith.constant 5 : i32
      %shift_right_arithmetic3A_344 = vector.broadcast %shift_right_arithmetic3A_343 : i32 to vector<16xi32>
      %shift_right_arithmetic3A_345 = arith.shrsi %get3A_196, %shift_right_arithmetic3A_344 : vector<16xi32>
      tpu.vector_store_idx %arg7[%shift_right_arithmetic3A_345], %add3A_342 masked %unique3A_202 : memref<31250xi32, #tpu.memory_space<vmem>>[vector<16xi32>], vector<16xi32>, vector<16xi1>
      %add3A_346 = arith.addi %add3A_334, %masked_cumsum3A_211 : vector<16xi32>
      %sub3A_347 = arith.constant 1 : i32
      %sub3A_348 = vector.broadcast %sub3A_347 : i32 to vector<16xi32>
      %sub3A_349 = arith.subi %add3A_346, %sub3A_348 : vector<16xi32>
      tpu.vector_store_idx %arg8[%sub3A_349], %add3A_342 masked %eq3A_201 : memref<16512xi32, #tpu.memory_space<vmem>>[vector<16xi32>], vector<16xi32>, vector<16xi1>
      %all_reduce_population_count3A_350 = tpu.all_reduce %eq3A_201 {dim = 0 : i64, kind = #tpu.reduction_kind<sum>} : vector<16xi1> -> vector<16xi32>
      %add3A_351 = arith.addi %add3A_334, %all_reduce_population_count3A_350 : vector<16xi32>
      %mul3A_352 = arith.constant 8 : i32
      %mul3A_353 = arith.muli %scan3A_56, %mul3A_352 : i32
      %add3A_354 = arith.constant 7 : i32
      %add3A_355 = arith.addi %mul3A_353, %add3A_354 : i32
      %mul3A_356 = arith.constant 16 : i32
      %mul3A_357 = arith.muli %add3A_355, %mul3A_356 : i32
      %add3A_358 = vector.broadcast %mul3A_357 : i32 to vector<16xi32>
      %add3A_359 = arith.addi %add3A_358, %iota3A : vector<16xi32>
      %shift_right_arithmetic3A_360 = arith.constant 5 : i32
      %shift_right_arithmetic3A_361 = vector.broadcast %shift_right_arithmetic3A_360 : i32 to vector<16xi32>
      %shift_right_arithmetic3A_362 = arith.shrsi %get3A_219, %shift_right_arithmetic3A_361 : vector<16xi32>
      tpu.vector_store_idx %arg7[%shift_right_arithmetic3A_362], %add3A_359 masked %unique3A_225 : memref<31250xi32, #tpu.memory_space<vmem>>[vector<16xi32>], vector<16xi32>, vector<16xi1>
      %add3A_363 = arith.addi %add3A_351, %masked_cumsum3A_234 : vector<16xi32>
      %sub3A_364 = arith.constant 1 : i32
      %sub3A_365 = vector.broadcast %sub3A_364 : i32 to vector<16xi32>
      %sub3A_366 = arith.subi %add3A_363, %sub3A_365 : vector<16xi32>
      tpu.vector_store_idx %arg8[%sub3A_366], %add3A_359 masked %eq3A_224 : memref<16512xi32, #tpu.memory_space<vmem>>[vector<16xi32>], vector<16xi32>, vector<16xi1>
      %all_reduce_population_count3A_367 = tpu.all_reduce %eq3A_224 {dim = 0 : i64, kind = #tpu.reduction_kind<sum>} : vector<16xi1> -> vector<16xi32>
      %add3A_368 = arith.addi %add3A_351, %all_reduce_population_count3A_367 : vector<16xi32>
      scf.yield %add3A_368 : vector<16xi32>
    }
    %scan3A_10 = arith.constant 128 : i32
    %reduce_max3A = arith.constant true
    %reduce_max3A_11 = vector.broadcast %reduce_max3A : i1 to vector<16xi1>
    %reduce_max3A_12 = arith.constant -2147483648 : i32
    %reduce_max3A_13 = vector.broadcast %reduce_max3A_12 : i32 to vector<16xi32>
    %reduce_max3A_14 = arith.xori %scan3A_9, %reduce_max3A_13 : vector<16xi32>
    %reduce_max3A_15 = tpu.scan <max>, %reduce_max3A_14 masked %reduce_max3A_11 : vector<16xi32>, vector<16xi1> -> vector<16xi32>
    %reduce_max3A_16 = arith.xori %reduce_max3A_15, %reduce_max3A_13 : vector<16xi32>
    %reduce_max3A_17 = vector.extract %reduce_max3A_16[15] : i32 from vector<16xi32>
    %sub3A = arith.constant 1 : i32
    %sub3A_18 = arith.subi %reduce_max3A_17, %sub3A : i32
    %max3A = arith.constant 0 : i32
    %max3A_19 = arith.maxsi %sub3A_18, %max3A : i32
    %broadcast_in_dim3A_20 = vector.broadcast %max3A_19 : i32 to vector<16xi32>
    %gather3A = tpu.vector_load_idx %arg8[%broadcast_in_dim3A_20] : memref<16512xi32, #tpu.memory_space<vmem>>[vector<16xi32>], vector<16xi32>,
    %add3A_21 = arith.constant 0 : i32
    %add3A_22 = arith.addi %reduce_max3A_17, %add3A_21 : i32
    %add3A_23 = vector.broadcast %add3A_22 : i32 to vector<16xi32>
    %add3A_24 = arith.addi %add3A_23, %iota3A : vector<16xi32>
    tpu.vector_store_idx %arg8[%add3A_24], %gather3A : memref<16512xi32, #tpu.memory_space<vmem>>[vector<16xi32>], vector<16xi32>,
    %add3A_25 = arith.constant 16 : i32
    %add3A_26 = arith.addi %reduce_max3A_17, %add3A_25 : i32
    %add3A_27 = vector.broadcast %add3A_26 : i32 to vector<16xi32>
    %add3A_28 = arith.addi %add3A_27, %iota3A : vector<16xi32>
    tpu.vector_store_idx %arg8[%add3A_28], %gather3A : memref<16512xi32, #tpu.memory_space<vmem>>[vector<16xi32>], vector<16xi32>,
    %add3A_29 = arith.constant 32 : i32
    %add3A_30 = arith.addi %reduce_max3A_17, %add3A_29 : i32
    %add3A_31 = vector.broadcast %add3A_30 : i32 to vector<16xi32>
    %add3A_32 = arith.addi %add3A_31, %iota3A : vector<16xi32>
    tpu.vector_store_idx %arg8[%add3A_32], %gather3A : memref<16512xi32, #tpu.memory_space<vmem>>[vector<16xi32>], vector<16xi32>,
    %add3A_33 = arith.constant 48 : i32
    %add3A_34 = arith.addi %reduce_max3A_17, %add3A_33 : i32
    %add3A_35 = vector.broadcast %add3A_34 : i32 to vector<16xi32>
    %add3A_36 = arith.addi %add3A_35, %iota3A : vector<16xi32>
    tpu.vector_store_idx %arg8[%add3A_36], %gather3A : memref<16512xi32, #tpu.memory_space<vmem>>[vector<16xi32>], vector<16xi32>,
    %add3A_37 = arith.constant 64 : i32
    %add3A_38 = arith.addi %reduce_max3A_17, %add3A_37 : i32
    %add3A_39 = vector.broadcast %add3A_38 : i32 to vector<16xi32>
    %add3A_40 = arith.addi %add3A_39, %iota3A : vector<16xi32>
    tpu.vector_store_idx %arg8[%add3A_40], %gather3A : memref<16512xi32, #tpu.memory_space<vmem>>[vector<16xi32>], vector<16xi32>,
    %add3A_41 = arith.constant 80 : i32
    %add3A_42 = arith.addi %reduce_max3A_17, %add3A_41 : i32
    %add3A_43 = vector.broadcast %add3A_42 : i32 to vector<16xi32>
    %add3A_44 = arith.addi %add3A_43, %iota3A : vector<16xi32>
    tpu.vector_store_idx %arg8[%add3A_44], %gather3A : memref<16512xi32, #tpu.memory_space<vmem>>[vector<16xi32>], vector<16xi32>,
    %add3A_45 = arith.constant 96 : i32
    %add3A_46 = arith.addi %reduce_max3A_17, %add3A_45 : i32
    %add3A_47 = vector.broadcast %add3A_46 : i32 to vector<16xi32>
    %add3A_48 = arith.addi %add3A_47, %iota3A : vector<16xi32>
    tpu.vector_store_idx %arg8[%add3A_48], %gather3A : memref<16512xi32, #tpu.memory_space<vmem>>[vector<16xi32>], vector<16xi32>,
    %add3A_49 = arith.constant 112 : i32
    %add3A_50 = arith.addi %reduce_max3A_17, %add3A_49 : i32
    %add3A_51 = vector.broadcast %add3A_50 : i32 to vector<16xi32>
    %add3A_52 = arith.addi %add3A_51, %iota3A : vector<16xi32>
    tpu.vector_store_idx %arg8[%add3A_52], %gather3A : memref<16512xi32, #tpu.memory_space<vmem>>[vector<16xi32>], vector<16xi32>,
    %gt3A = arith.constant 0 : i32
    %gt3A_53 = arith.cmpi sgt, %reduce_max3A_17, %gt3A : i32
    %convert_element_type3A = arith.extui %gt3A_53 : i1 to i32
    %cond3A = arith.constant 0 : i32
    %cond3A_54 = arith.cmpi ne, %convert_element_type3A, %cond3A : i32
    scf.if %cond3A_54 {
      %rem3A = arith.constant 0 : i32
      %rem3A_56 = arith.constant 2 : i32
      %rem3A_57 = arith.remsi %rem3A, %rem3A_56 : i32
      %mul3A_58 = arith.constant 0 : i32
      %mul3A_59 = arith.constant 128 : i32
      %mul3A_60 = arith.muli %mul3A_58, %mul3A_59 : i32
      %add3A_61 = arith.constant 0 : i32
      %add3A_62 = arith.addi %mul3A_60, %add3A_61 : i32
      %add3A_63 = vector.broadcast %add3A_62 : i32 to vector<16xi32>
      %add3A_64 = arith.addi %add3A_63, %iota3A : vector<16xi32>
      %gather3A_65 = tpu.vector_load_idx %arg8[%add3A_64] : memref<16512xi32, #tpu.memory_space<vmem>>[vector<16xi32>], vector<16xi32>,
      %gather3A_66 = tpu.vector_load_idx %arg6[%gather3A_65] : memref<16384xi32, #tpu.memory_space<vmem>>[vector<16xi32>], vector<16xi32>,
      %shift_right_arithmetic3A = arith.constant 5 : i32
      %shift_right_arithmetic3A_67 = vector.broadcast %shift_right_arithmetic3A : i32 to vector<16xi32>
      %shift_right_arithmetic3A_68 = arith.shrsi %gather3A_66, %shift_right_arithmetic3A_67 : vector<16xi32>
      %gather3A_69 = tpu.vector_load_idx %arg7[%shift_right_arithmetic3A_68] : memref<31250xi32, #tpu.memory_space<vmem>>[vector<16xi32>], vector<16xi32>,
      %swap3A = arith.constant 0 : i32
      %swap3A_70 = tpu.memref_slice %arg9[%rem3A_57, %swap3A] : memref<2x128xi32, #tpu.memory_space<vmem>> -> memref<1x128xi32, #tpu.memory_space<vmem>>
      %swap3A_71 = tpu.memref_squeeze %swap3A_70 : memref<1x128xi32, #tpu.memory_space<vmem>> -> memref<128xi32, #tpu.memory_space<vmem>>
      %swap3A_72 = arith.constant 0 : index
      %swap3A_73 = tpu.vector_load %swap3A_71[%swap3A_72] {strides = array<i32>} : memref<128xi32, #tpu.memory_space<vmem>>, vector<16xi32>,
      tpu.vector_store %swap3A_71[%swap3A_72], %gather3A_65 {strides = array<i32>} : memref<128xi32, #tpu.memory_space<vmem>>, vector<16xi32>,
      %swap3A_74 = arith.constant 0 : i32
      %swap3A_75 = tpu.memref_slice %arg10[%rem3A_57, %swap3A_74] : memref<2x128xi32, #tpu.memory_space<vmem>> -> memref<1x128xi32, #tpu.memory_space<vmem>>
      %swap3A_76 = tpu.memref_squeeze %swap3A_75 : memref<1x128xi32, #tpu.memory_space<vmem>> -> memref<128xi32, #tpu.memory_space<vmem>>
      %swap3A_77 = arith.constant 0 : index
      %swap3A_78 = tpu.vector_load %swap3A_76[%swap3A_77] {strides = array<i32>} : memref<128xi32, #tpu.memory_space<vmem>>, vector<16xi32>,
      tpu.vector_store %swap3A_76[%swap3A_77], %gather3A_69 {strides = array<i32>} : memref<128xi32, #tpu.memory_space<vmem>>, vector<16xi32>,
      %mul3A_79 = arith.constant 0 : i32
      %mul3A_80 = arith.constant 128 : i32
      %mul3A_81 = arith.muli %mul3A_79, %mul3A_80 : i32
      %add3A_82 = arith.constant 16 : i32
      %add3A_83 = arith.addi %mul3A_81, %add3A_82 : i32
      %add3A_84 = vector.broadcast %add3A_83 : i32 to vector<16xi32>
      %add3A_85 = arith.addi %add3A_84, %iota3A : vector<16xi32>
      %gather3A_86 = tpu.vector_load_idx %arg8[%add3A_85] : memref<16512xi32, #tpu.memory_space<vmem>>[vector<16xi32>], vector<16xi32>,
      %gather3A_87 = tpu.vector_load_idx %arg6[%gather3A_86] : memref<16384xi32, #tpu.memory_space<vmem>>[vector<16xi32>], vector<16xi32>,
      %shift_right_arithmetic3A_88 = arith.constant 5 : i32
      %shift_right_arithmetic3A_89 = vector.broadcast %shift_right_arithmetic3A_88 : i32 to vector<16xi32>
      %shift_right_arithmetic3A_90 = arith.shrsi %gather3A_87, %shift_right_arithmetic3A_89 : vector<16xi32>
      %gather3A_91 = tpu.vector_load_idx %arg7[%shift_right_arithmetic3A_90] : memref<31250xi32, #tpu.memory_space<vmem>>[vector<16xi32>], vector<16xi32>,
      %swap3A_92 = arith.constant 0 : i32
      %swap3A_93 = tpu.memref_slice %arg9[%rem3A_57, %swap3A_92] : memref<2x128xi32, #tpu.memory_space<vmem>> -> memref<1x128xi32, #tpu.memory_space<vmem>>
      %swap3A_94 = tpu.memref_squeeze %swap3A_93 : memref<1x128xi32, #tpu.memory_space<vmem>> -> memref<128xi32, #tpu.memory_space<vmem>>
      %swap3A_95 = arith.constant 16 : index
      %swap3A_96 = tpu.vector_load %swap3A_94[%swap3A_95] {strides = array<i32>} : memref<128xi32, #tpu.memory_space<vmem>>, vector<16xi32>,
      tpu.vector_store %swap3A_94[%swap3A_95], %gather3A_86 {strides = array<i32>} : memref<128xi32, #tpu.memory_space<vmem>>, vector<16xi32>,
      %swap3A_97 = arith.constant 0 : i32
      %swap3A_98 = tpu.memref_slice %arg10[%rem3A_57, %swap3A_97] : memref<2x128xi32, #tpu.memory_space<vmem>> -> memref<1x128xi32, #tpu.memory_space<vmem>>
      %swap3A_99 = tpu.memref_squeeze %swap3A_98 : memref<1x128xi32, #tpu.memory_space<vmem>> -> memref<128xi32, #tpu.memory_space<vmem>>
      %swap3A_100 = arith.constant 16 : index
      %swap3A_101 = tpu.vector_load %swap3A_99[%swap3A_100] {strides = array<i32>} : memref<128xi32, #tpu.memory_space<vmem>>, vector<16xi32>,
      tpu.vector_store %swap3A_99[%swap3A_100], %gather3A_91 {strides = array<i32>} : memref<128xi32, #tpu.memory_space<vmem>>, vector<16xi32>,
      %mul3A_102 = arith.constant 0 : i32
      %mul3A_103 = arith.constant 128 : i32
      %mul3A_104 = arith.muli %mul3A_102, %mul3A_103 : i32
      %add3A_105 = arith.constant 32 : i32
      %add3A_106 = arith.addi %mul3A_104, %add3A_105 : i32
      %add3A_107 = vector.broadcast %add3A_106 : i32 to vector<16xi32>
      %add3A_108 = arith.addi %add3A_107, %iota3A : vector<16xi32>
      %gather3A_109 = tpu.vector_load_idx %arg8[%add3A_108] : memref<16512xi32, #tpu.memory_space<vmem>>[vector<16xi32>], vector<16xi32>,
      %gather3A_110 = tpu.vector_load_idx %arg6[%gather3A_109] : memref<16384xi32, #tpu.memory_space<vmem>>[vector<16xi32>], vector<16xi32>,
      %shift_right_arithmetic3A_111 = arith.constant 5 : i32
      %shift_right_arithmetic3A_112 = vector.broadcast %shift_right_arithmetic3A_111 : i32 to vector<16xi32>
      %shift_right_arithmetic3A_113 = arith.shrsi %gather3A_110, %shift_right_arithmetic3A_112 : vector<16xi32>
      %gather3A_114 = tpu.vector_load_idx %arg7[%shift_right_arithmetic3A_113] : memref<31250xi32, #tpu.memory_space<vmem>>[vector<16xi32>], vector<16xi32>,
      %swap3A_115 = arith.constant 0 : i32
      %swap3A_116 = tpu.memref_slice %arg9[%rem3A_57, %swap3A_115] : memref<2x128xi32, #tpu.memory_space<vmem>> -> memref<1x128xi32, #tpu.memory_space<vmem>>
      %swap3A_117 = tpu.memref_squeeze %swap3A_116 : memref<1x128xi32, #tpu.memory_space<vmem>> -> memref<128xi32, #tpu.memory_space<vmem>>
      %swap3A_118 = arith.constant 32 : index
      %swap3A_119 = tpu.vector_load %swap3A_117[%swap3A_118] {strides = array<i32>} : memref<128xi32, #tpu.memory_space<vmem>>, vector<16xi32>,
      tpu.vector_store %swap3A_117[%swap3A_118], %gather3A_109 {strides = array<i32>} : memref<128xi32, #tpu.memory_space<vmem>>, vector<16xi32>,
      %swap3A_120 = arith.constant 0 : i32
      %swap3A_121 = tpu.memref_slice %arg10[%rem3A_57, %swap3A_120] : memref<2x128xi32, #tpu.memory_space<vmem>> -> memref<1x128xi32, #tpu.memory_space<vmem>>
      %swap3A_122 = tpu.memref_squeeze %swap3A_121 : memref<1x128xi32, #tpu.memory_space<vmem>> -> memref<128xi32, #tpu.memory_space<vmem>>
      %swap3A_123 = arith.constant 32 : index
      %swap3A_124 = tpu.vector_load %swap3A_122[%swap3A_123] {strides = array<i32>} : memref<128xi32, #tpu.memory_space<vmem>>, vector<16xi32>,
      tpu.vector_store %swap3A_122[%swap3A_123], %gather3A_114 {strides = array<i32>} : memref<128xi32, #tpu.memory_space<vmem>>, vector<16xi32>,
      %mul3A_125 = arith.constant 0 : i32
      %mul3A_126 = arith.constant 128 : i32
      %mul3A_127 = arith.muli %mul3A_125, %mul3A_126 : i32
      %add3A_128 = arith.constant 48 : i32
      %add3A_129 = arith.addi %mul3A_127, %add3A_128 : i32
      %add3A_130 = vector.broadcast %add3A_129 : i32 to vector<16xi32>
      %add3A_131 = arith.addi %add3A_130, %iota3A : vector<16xi32>
      %gather3A_132 = tpu.vector_load_idx %arg8[%add3A_131] : memref<16512xi32, #tpu.memory_space<vmem>>[vector<16xi32>], vector<16xi32>,
      %gather3A_133 = tpu.vector_load_idx %arg6[%gather3A_132] : memref<16384xi32, #tpu.memory_space<vmem>>[vector<16xi32>], vector<16xi32>,
      %shift_right_arithmetic3A_134 = arith.constant 5 : i32
      %shift_right_arithmetic3A_135 = vector.broadcast %shift_right_arithmetic3A_134 : i32 to vector<16xi32>
      %shift_right_arithmetic3A_136 = arith.shrsi %gather3A_133, %shift_right_arithmetic3A_135 : vector<16xi32>
      %gather3A_137 = tpu.vector_load_idx %arg7[%shift_right_arithmetic3A_136] : memref<31250xi32, #tpu.memory_space<vmem>>[vector<16xi32>], vector<16xi32>,
      %swap3A_138 = arith.constant 0 : i32
      %swap3A_139 = tpu.memref_slice %arg9[%rem3A_57, %swap3A_138] : memref<2x128xi32, #tpu.memory_space<vmem>> -> memref<1x128xi32, #tpu.memory_space<vmem>>
      %swap3A_140 = tpu.memref_squeeze %swap3A_139 : memref<1x128xi32, #tpu.memory_space<vmem>> -> memref<128xi32, #tpu.memory_space<vmem>>
      %swap3A_141 = arith.constant 48 : index
      %swap3A_142 = tpu.vector_load %swap3A_140[%swap3A_141] {strides = array<i32>} : memref<128xi32, #tpu.memory_space<vmem>>, vector<16xi32>,
      tpu.vector_store %swap3A_140[%swap3A_141], %gather3A_132 {strides = array<i32>} : memref<128xi32, #tpu.memory_space<vmem>>, vector<16xi32>,
      %swap3A_143 = arith.constant 0 : i32
      %swap3A_144 = tpu.memref_slice %arg10[%rem3A_57, %swap3A_143] : memref<2x128xi32, #tpu.memory_space<vmem>> -> memref<1x128xi32, #tpu.memory_space<vmem>>
      %swap3A_145 = tpu.memref_squeeze %swap3A_144 : memref<1x128xi32, #tpu.memory_space<vmem>> -> memref<128xi32, #tpu.memory_space<vmem>>
      %swap3A_146 = arith.constant 48 : index
      %swap3A_147 = tpu.vector_load %swap3A_145[%swap3A_146] {strides = array<i32>} : memref<128xi32, #tpu.memory_space<vmem>>, vector<16xi32>,
      tpu.vector_store %swap3A_145[%swap3A_146], %gather3A_137 {strides = array<i32>} : memref<128xi32, #tpu.memory_space<vmem>>, vector<16xi32>,
      %mul3A_148 = arith.constant 0 : i32
      %mul3A_149 = arith.constant 128 : i32
      %mul3A_150 = arith.muli %mul3A_148, %mul3A_149 : i32
      %add3A_151 = arith.constant 64 : i32
      %add3A_152 = arith.addi %mul3A_150, %add3A_151 : i32
      %add3A_153 = vector.broadcast %add3A_152 : i32 to vector<16xi32>
      %add3A_154 = arith.addi %add3A_153, %iota3A : vector<16xi32>
      %gather3A_155 = tpu.vector_load_idx %arg8[%add3A_154] : memref<16512xi32, #tpu.memory_space<vmem>>[vector<16xi32>], vector<16xi32>,
      %gather3A_156 = tpu.vector_load_idx %arg6[%gather3A_155] : memref<16384xi32, #tpu.memory_space<vmem>>[vector<16xi32>], vector<16xi32>,
      %shift_right_arithmetic3A_157 = arith.constant 5 : i32
      %shift_right_arithmetic3A_158 = vector.broadcast %shift_right_arithmetic3A_157 : i32 to vector<16xi32>
      %shift_right_arithmetic3A_159 = arith.shrsi %gather3A_156, %shift_right_arithmetic3A_158 : vector<16xi32>
      %gather3A_160 = tpu.vector_load_idx %arg7[%shift_right_arithmetic3A_159] : memref<31250xi32, #tpu.memory_space<vmem>>[vector<16xi32>], vector<16xi32>,
      %swap3A_161 = arith.constant 0 : i32
      %swap3A_162 = tpu.memref_slice %arg9[%rem3A_57, %swap3A_161] : memref<2x128xi32, #tpu.memory_space<vmem>> -> memref<1x128xi32, #tpu.memory_space<vmem>>
      %swap3A_163 = tpu.memref_squeeze %swap3A_162 : memref<1x128xi32, #tpu.memory_space<vmem>> -> memref<128xi32, #tpu.memory_space<vmem>>
      %swap3A_164 = arith.constant 64 : index
      %swap3A_165 = tpu.vector_load %swap3A_163[%swap3A_164] {strides = array<i32>} : memref<128xi32, #tpu.memory_space<vmem>>, vector<16xi32>,
      tpu.vector_store %swap3A_163[%swap3A_164], %gather3A_155 {strides = array<i32>} : memref<128xi32, #tpu.memory_space<vmem>>, vector<16xi32>,
      %swap3A_166 = arith.constant 0 : i32
      %swap3A_167 = tpu.memref_slice %arg10[%rem3A_57, %swap3A_166] : memref<2x128xi32, #tpu.memory_space<vmem>> -> memref<1x128xi32, #tpu.memory_space<vmem>>
      %swap3A_168 = tpu.memref_squeeze %swap3A_167 : memref<1x128xi32, #tpu.memory_space<vmem>> -> memref<128xi32, #tpu.memory_space<vmem>>
      %swap3A_169 = arith.constant 64 : index
      %swap3A_170 = tpu.vector_load %swap3A_168[%swap3A_169] {strides = array<i32>} : memref<128xi32, #tpu.memory_space<vmem>>, vector<16xi32>,
      tpu.vector_store %swap3A_168[%swap3A_169], %gather3A_160 {strides = array<i32>} : memref<128xi32, #tpu.memory_space<vmem>>, vector<16xi32>,
      %mul3A_171 = arith.constant 0 : i32
      %mul3A_172 = arith.constant 128 : i32
      %mul3A_173 = arith.muli %mul3A_171, %mul3A_172 : i32
      %add3A_174 = arith.constant 80 : i32
      %add3A_175 = arith.addi %mul3A_173, %add3A_174 : i32
      %add3A_176 = vector.broadcast %add3A_175 : i32 to vector<16xi32>
      %add3A_177 = arith.addi %add3A_176, %iota3A : vector<16xi32>
      %gather3A_178 = tpu.vector_load_idx %arg8[%add3A_177] : memref<16512xi32, #tpu.memory_space<vmem>>[vector<16xi32>], vector<16xi32>,
      %gather3A_179 = tpu.vector_load_idx %arg6[%gather3A_178] : memref<16384xi32, #tpu.memory_space<vmem>>[vector<16xi32>], vector<16xi32>,
      %shift_right_arithmetic3A_180 = arith.constant 5 : i32
      %shift_right_arithmetic3A_181 = vector.broadcast %shift_right_arithmetic3A_180 : i32 to vector<16xi32>
      %shift_right_arithmetic3A_182 = arith.shrsi %gather3A_179, %shift_right_arithmetic3A_181 : vector<16xi32>
      %gather3A_183 = tpu.vector_load_idx %arg7[%shift_right_arithmetic3A_182] : memref<31250xi32, #tpu.memory_space<vmem>>[vector<16xi32>], vector<16xi32>,
      %swap3A_184 = arith.constant 0 : i32
      %swap3A_185 = tpu.memref_slice %arg9[%rem3A_57, %swap3A_184] : memref<2x128xi32, #tpu.memory_space<vmem>> -> memref<1x128xi32, #tpu.memory_space<vmem>>
      %swap3A_186 = tpu.memref_squeeze %swap3A_185 : memref<1x128xi32, #tpu.memory_space<vmem>> -> memref<128xi32, #tpu.memory_space<vmem>>
      %swap3A_187 = arith.constant 80 : index
      %swap3A_188 = tpu.vector_load %swap3A_186[%swap3A_187] {strides = array<i32>} : memref<128xi32, #tpu.memory_space<vmem>>, vector<16xi32>,
      tpu.vector_store %swap3A_186[%swap3A_187], %gather3A_178 {strides = array<i32>} : memref<128xi32, #tpu.memory_space<vmem>>, vector<16xi32>,
      %swap3A_189 = arith.constant 0 : i32
      %swap3A_190 = tpu.memref_slice %arg10[%rem3A_57, %swap3A_189] : memref<2x128xi32, #tpu.memory_space<vmem>> -> memref<1x128xi32, #tpu.memory_space<vmem>>
      %swap3A_191 = tpu.memref_squeeze %swap3A_190 : memref<1x128xi32, #tpu.memory_space<vmem>> -> memref<128xi32, #tpu.memory_space<vmem>>
      %swap3A_192 = arith.constant 80 : index
      %swap3A_193 = tpu.vector_load %swap3A_191[%swap3A_192] {strides = array<i32>} : memref<128xi32, #tpu.memory_space<vmem>>, vector<16xi32>,
      tpu.vector_store %swap3A_191[%swap3A_192], %gather3A_183 {strides = array<i32>} : memref<128xi32, #tpu.memory_space<vmem>>, vector<16xi32>,
      %mul3A_194 = arith.constant 0 : i32
      %mul3A_195 = arith.constant 128 : i32
      %mul3A_196 = arith.muli %mul3A_194, %mul3A_195 : i32
      %add3A_197 = arith.constant 96 : i32
      %add3A_198 = arith.addi %mul3A_196, %add3A_197 : i32
      %add3A_199 = vector.broadcast %add3A_198 : i32 to vector<16xi32>
      %add3A_200 = arith.addi %add3A_199, %iota3A : vector<16xi32>
      %gather3A_201 = tpu.vector_load_idx %arg8[%add3A_200] : memref<16512xi32, #tpu.memory_space<vmem>>[vector<16xi32>], vector<16xi32>,
      %gather3A_202 = tpu.vector_load_idx %arg6[%gather3A_201] : memref<16384xi32, #tpu.memory_space<vmem>>[vector<16xi32>], vector<16xi32>,
      %shift_right_arithmetic3A_203 = arith.constant 5 : i32
      %shift_right_arithmetic3A_204 = vector.broadcast %shift_right_arithmetic3A_203 : i32 to vector<16xi32>
      %shift_right_arithmetic3A_205 = arith.shrsi %gather3A_202, %shift_right_arithmetic3A_204 : vector<16xi32>
      %gather3A_206 = tpu.vector_load_idx %arg7[%shift_right_arithmetic3A_205] : memref<31250xi32, #tpu.memory_space<vmem>>[vector<16xi32>], vector<16xi32>,
      %swap3A_207 = arith.constant 0 : i32
      %swap3A_208 = tpu.memref_slice %arg9[%rem3A_57, %swap3A_207] : memref<2x128xi32, #tpu.memory_space<vmem>> -> memref<1x128xi32, #tpu.memory_space<vmem>>
      %swap3A_209 = tpu.memref_squeeze %swap3A_208 : memref<1x128xi32, #tpu.memory_space<vmem>> -> memref<128xi32, #tpu.memory_space<vmem>>
      %swap3A_210 = arith.constant 96 : index
      %swap3A_211 = tpu.vector_load %swap3A_209[%swap3A_210] {strides = array<i32>} : memref<128xi32, #tpu.memory_space<vmem>>, vector<16xi32>,
      tpu.vector_store %swap3A_209[%swap3A_210], %gather3A_201 {strides = array<i32>} : memref<128xi32, #tpu.memory_space<vmem>>, vector<16xi32>,
      %swap3A_212 = arith.constant 0 : i32
      %swap3A_213 = tpu.memref_slice %arg10[%rem3A_57, %swap3A_212] : memref<2x128xi32, #tpu.memory_space<vmem>> -> memref<1x128xi32, #tpu.memory_space<vmem>>
      %swap3A_214 = tpu.memref_squeeze %swap3A_213 : memref<1x128xi32, #tpu.memory_space<vmem>> -> memref<128xi32, #tpu.memory_space<vmem>>
      %swap3A_215 = arith.constant 96 : index
      %swap3A_216 = tpu.vector_load %swap3A_214[%swap3A_215] {strides = array<i32>} : memref<128xi32, #tpu.memory_space<vmem>>, vector<16xi32>,
      tpu.vector_store %swap3A_214[%swap3A_215], %gather3A_206 {strides = array<i32>} : memref<128xi32, #tpu.memory_space<vmem>>, vector<16xi32>,
      %mul3A_217 = arith.constant 0 : i32
      %mul3A_218 = arith.constant 128 : i32
      %mul3A_219 = arith.muli %mul3A_217, %mul3A_218 : i32
      %add3A_220 = arith.constant 112 : i32
      %add3A_221 = arith.addi %mul3A_219, %add3A_220 : i32
      %add3A_222 = vector.broadcast %add3A_221 : i32 to vector<16xi32>
      %add3A_223 = arith.addi %add3A_222, %iota3A : vector<16xi32>
      %gather3A_224 = tpu.vector_load_idx %arg8[%add3A_223] : memref<16512xi32, #tpu.memory_space<vmem>>[vector<16xi32>], vector<16xi32>,
      %gather3A_225 = tpu.vector_load_idx %arg6[%gather3A_224] : memref<16384xi32, #tpu.memory_space<vmem>>[vector<16xi32>], vector<16xi32>,
      %shift_right_arithmetic3A_226 = arith.constant 5 : i32
      %shift_right_arithmetic3A_227 = vector.broadcast %shift_right_arithmetic3A_226 : i32 to vector<16xi32>
      %shift_right_arithmetic3A_228 = arith.shrsi %gather3A_225, %shift_right_arithmetic3A_227 : vector<16xi32>
      %gather3A_229 = tpu.vector_load_idx %arg7[%shift_right_arithmetic3A_228] : memref<31250xi32, #tpu.memory_space<vmem>>[vector<16xi32>], vector<16xi32>,
      %swap3A_230 = arith.constant 0 : i32
      %swap3A_231 = tpu.memref_slice %arg9[%rem3A_57, %swap3A_230] : memref<2x128xi32, #tpu.memory_space<vmem>> -> memref<1x128xi32, #tpu.memory_space<vmem>>
      %swap3A_232 = tpu.memref_squeeze %swap3A_231 : memref<1x128xi32, #tpu.memory_space<vmem>> -> memref<128xi32, #tpu.memory_space<vmem>>
      %swap3A_233 = arith.constant 112 : index
      %swap3A_234 = tpu.vector_load %swap3A_232[%swap3A_233] {strides = array<i32>} : memref<128xi32, #tpu.memory_space<vmem>>, vector<16xi32>,
      tpu.vector_store %swap3A_232[%swap3A_233], %gather3A_224 {strides = array<i32>} : memref<128xi32, #tpu.memory_space<vmem>>, vector<16xi32>,
      %swap3A_235 = arith.constant 0 : i32
      %swap3A_236 = tpu.memref_slice %arg10[%rem3A_57, %swap3A_235] : memref<2x128xi32, #tpu.memory_space<vmem>> -> memref<1x128xi32, #tpu.memory_space<vmem>>
      %swap3A_237 = tpu.memref_squeeze %swap3A_236 : memref<1x128xi32, #tpu.memory_space<vmem>> -> memref<128xi32, #tpu.memory_space<vmem>>
      %swap3A_238 = arith.constant 112 : index
      %swap3A_239 = tpu.vector_load %swap3A_237[%swap3A_238] {strides = array<i32>} : memref<128xi32, #tpu.memory_space<vmem>>, vector<16xi32>,
      tpu.vector_store %swap3A_237[%swap3A_238], %gather3A_229 {strides = array<i32>} : memref<128xi32, #tpu.memory_space<vmem>>, vector<16xi32>,
      %dma_start3A = arith.constant 0 : i32
      %dma_start3A_240 = arith.constant 0 : i32
      %dma_start3A_241 = tpu.memref_slice %arg11[%rem3A_57, %dma_start3A, %dma_start3A_240] : memref<2x128x64xf32, #tpu.memory_space<vmem>> -> memref<1x128x64xf32, #tpu.memory_space<vmem>>
      %dma_start3A_242 = tpu.memref_squeeze %dma_start3A_241 : memref<1x128x64xf32, #tpu.memory_space<vmem>> -> memref<128x64xf32, #tpu.memory_space<vmem>>
      %dma_start3A_243 = arith.constant 0 : i32
      %dma_start3A_244 = tpu.memref_slice %arg10[%rem3A_57, %dma_start3A_243] : memref<2x128xi32, #tpu.memory_space<vmem>> -> memref<1x128xi32, #tpu.memory_space<vmem>>
      %dma_start3A_245 = tpu.memref_squeeze %dma_start3A_244 : memref<1x128xi32, #tpu.memory_space<vmem>> -> memref<128xi32, #tpu.memory_space<vmem>>
      %dma_start3A_246 = arith.constant 0 : i32
      %dma_start3A_247 = arith.constant 0 : i32
      %dma_start3A_248 = tpu.memref_slice %arg3[%dma_start3A_246, %dma_start3A_247] : memref<16384x64xf32, #tpu.memory_space<hbm>> -> memref<16384x64xf32, #tpu.memory_space<hbm>>
      %dma_start3A_249 = tpu.memref_slice %arg12[%rem3A_57] : memref<2x!tpu.dma_semaphore, #tpu.memory_space<semaphore_mem>> -> memref<1x!tpu.dma_semaphore, #tpu.memory_space<semaphore_mem>>
      %dma_start3A_250 = tpu.memref_squeeze %dma_start3A_249 : memref<1x!tpu.dma_semaphore, #tpu.memory_space<semaphore_mem>> -> memref<!tpu.dma_semaphore, #tpu.memory_space<semaphore_mem>>
      tpu.enqueue_indirect_dma source(%dma_start3A_248 : memref<16384x64xf32, #tpu.memory_space<hbm>>) target(%dma_start3A_242 : memref<128x64xf32, #tpu.memory_space<vmem>>) offsets(%dma_start3A_245 : memref<128xi32, #tpu.memory_space<vmem>>) semaphore(%dma_start3A_250 : memref<!tpu.dma_semaphore, #tpu.memory_space<semaphore_mem>>)
    } else {
    }
    %while3A = arith.constant 0 : i32
    %while3A_55 = scf.while (%while3A_56 = %while3A) : (i32) -> i32 {
      %mul3A_57 = arith.constant 128 : i32
      %mul3A_58 = arith.muli %while3A_56, %mul3A_57 : i32
      %lt3A = arith.cmpi slt, %mul3A_58, %reduce_max3A_17 : i32
      scf.condition(%lt3A) %while3A_56 : i32
    } do {
    ^bb0(%while3A_56: i32):
      %add3A_57 = arith.constant 1 : i32
      %add3A_58 = arith.addi %while3A_56, %add3A_57 : i32
      %mul3A_59 = arith.constant 128 : i32
      %mul3A_60 = arith.muli %add3A_58, %mul3A_59 : i32
      %lt3A = arith.cmpi slt, %mul3A_60, %reduce_max3A_17 : i32
      %convert_element_type3A_61 = arith.extui %lt3A : i1 to i32
      %cond3A_62 = arith.constant 0 : i32
      %cond3A_63 = arith.cmpi ne, %convert_element_type3A_61, %cond3A_62 : i32
      scf.if %cond3A_63 {
        %add3A_78 = arith.constant 1 : i32
        %add3A_79 = arith.addi %while3A_56, %add3A_78 : i32
        %rem3A_80 = arith.constant 2 : i32
        %rem3A_81 = arith.remsi %add3A_79, %rem3A_80 : i32
        %mul3A_82 = arith.constant 128 : i32
        %mul3A_83 = arith.muli %add3A_79, %mul3A_82 : i32
        %add3A_84 = arith.constant 0 : i32
        %add3A_85 = arith.addi %mul3A_83, %add3A_84 : i32
        %add3A_86 = vector.broadcast %add3A_85 : i32 to vector<16xi32>
        %add3A_87 = arith.addi %add3A_86, %iota3A : vector<16xi32>
        %gather3A_88 = tpu.vector_load_idx %arg8[%add3A_87] : memref<16512xi32, #tpu.memory_space<vmem>>[vector<16xi32>], vector<16xi32>,
        %gather3A_89 = tpu.vector_load_idx %arg6[%gather3A_88] : memref<16384xi32, #tpu.memory_space<vmem>>[vector<16xi32>], vector<16xi32>,
        %shift_right_arithmetic3A = arith.constant 5 : i32
        %shift_right_arithmetic3A_90 = vector.broadcast %shift_right_arithmetic3A : i32 to vector<16xi32>
        %shift_right_arithmetic3A_91 = arith.shrsi %gather3A_89, %shift_right_arithmetic3A_90 : vector<16xi32>
        %gather3A_92 = tpu.vector_load_idx %arg7[%shift_right_arithmetic3A_91] : memref<31250xi32, #tpu.memory_space<vmem>>[vector<16xi32>], vector<16xi32>,
        %swap3A = arith.constant 0 : i32
        %swap3A_93 = tpu.memref_slice %arg9[%rem3A_81, %swap3A] : memref<2x128xi32, #tpu.memory_space<vmem>> -> memref<1x128xi32, #tpu.memory_space<vmem>>
        %swap3A_94 = tpu.memref_squeeze %swap3A_93 : memref<1x128xi32, #tpu.memory_space<vmem>> -> memref<128xi32, #tpu.memory_space<vmem>>
        %swap3A_95 = arith.constant 0 : index
        %swap3A_96 = tpu.vector_load %swap3A_94[%swap3A_95] {strides = array<i32>} : memref<128xi32, #tpu.memory_space<vmem>>, vector<16xi32>,
        tpu.vector_store %swap3A_94[%swap3A_95], %gather3A_88 {strides = array<i32>} : memref<128xi32, #tpu.memory_space<vmem>>, vector<16xi32>,
        %swap3A_97 = arith.constant 0 : i32
        %swap3A_98 = tpu.memref_slice %arg10[%rem3A_81, %swap3A_97] : memref<2x128xi32, #tpu.memory_space<vmem>> -> memref<1x128xi32, #tpu.memory_space<vmem>>
        %swap3A_99 = tpu.memref_squeeze %swap3A_98 : memref<1x128xi32, #tpu.memory_space<vmem>> -> memref<128xi32, #tpu.memory_space<vmem>>
        %swap3A_100 = arith.constant 0 : index
        %swap3A_101 = tpu.vector_load %swap3A_99[%swap3A_100] {strides = array<i32>} : memref<128xi32, #tpu.memory_space<vmem>>, vector<16xi32>,
        tpu.vector_store %swap3A_99[%swap3A_100], %gather3A_92 {strides = array<i32>} : memref<128xi32, #tpu.memory_space<vmem>>, vector<16xi32>,
        %mul3A_102 = arith.constant 128 : i32
        %mul3A_103 = arith.muli %add3A_79, %mul3A_102 : i32
        %add3A_104 = arith.constant 16 : i32
        %add3A_105 = arith.addi %mul3A_103, %add3A_104 : i32
        %add3A_106 = vector.broadcast %add3A_105 : i32 to vector<16xi32>
        %add3A_107 = arith.addi %add3A_106, %iota3A : vector<16xi32>
        %gather3A_108 = tpu.vector_load_idx %arg8[%add3A_107] : memref<16512xi32, #tpu.memory_space<vmem>>[vector<16xi32>], vector<16xi32>,
        %gather3A_109 = tpu.vector_load_idx %arg6[%gather3A_108] : memref<16384xi32, #tpu.memory_space<vmem>>[vector<16xi32>], vector<16xi32>,
        %shift_right_arithmetic3A_110 = arith.constant 5 : i32
        %shift_right_arithmetic3A_111 = vector.broadcast %shift_right_arithmetic3A_110 : i32 to vector<16xi32>
        %shift_right_arithmetic3A_112 = arith.shrsi %gather3A_109, %shift_right_arithmetic3A_111 : vector<16xi32>
        %gather3A_113 = tpu.vector_load_idx %arg7[%shift_right_arithmetic3A_112] : memref<31250xi32, #tpu.memory_space<vmem>>[vector<16xi32>], vector<16xi32>,
        %swap3A_114 = arith.constant 0 : i32
        %swap3A_115 = tpu.memref_slice %arg9[%rem3A_81, %swap3A_114] : memref<2x128xi32, #tpu.memory_space<vmem>> -> memref<1x128xi32, #tpu.memory_space<vmem>>
        %swap3A_116 = tpu.memref_squeeze %swap3A_115 : memref<1x128xi32, #tpu.memory_space<vmem>> -> memref<128xi32, #tpu.memory_space<vmem>>
        %swap3A_117 = arith.constant 16 : index
        %swap3A_118 = tpu.vector_load %swap3A_116[%swap3A_117] {strides = array<i32>} : memref<128xi32, #tpu.memory_space<vmem>>, vector<16xi32>,
        tpu.vector_store %swap3A_116[%swap3A_117], %gather3A_108 {strides = array<i32>} : memref<128xi32, #tpu.memory_space<vmem>>, vector<16xi32>,
        %swap3A_119 = arith.constant 0 : i32
        %swap3A_120 = tpu.memref_slice %arg10[%rem3A_81, %swap3A_119] : memref<2x128xi32, #tpu.memory_space<vmem>> -> memref<1x128xi32, #tpu.memory_space<vmem>>
        %swap3A_121 = tpu.memref_squeeze %swap3A_120 : memref<1x128xi32, #tpu.memory_space<vmem>> -> memref<128xi32, #tpu.memory_space<vmem>>
        %swap3A_122 = arith.constant 16 : index
        %swap3A_123 = tpu.vector_load %swap3A_121[%swap3A_122] {strides = array<i32>} : memref<128xi32, #tpu.memory_space<vmem>>, vector<16xi32>,
        tpu.vector_store %swap3A_121[%swap3A_122], %gather3A_113 {strides = array<i32>} : memref<128xi32, #tpu.memory_space<vmem>>, vector<16xi32>,
        %mul3A_124 = arith.constant 128 : i32
        %mul3A_125 = arith.muli %add3A_79, %mul3A_124 : i32
        %add3A_126 = arith.constant 32 : i32
        %add3A_127 = arith.addi %mul3A_125, %add3A_126 : i32
        %add3A_128 = vector.broadcast %add3A_127 : i32 to vector<16xi32>
        %add3A_129 = arith.addi %add3A_128, %iota3A : vector<16xi32>
        %gather3A_130 = tpu.vector_load_idx %arg8[%add3A_129] : memref<16512xi32, #tpu.memory_space<vmem>>[vector<16xi32>], vector<16xi32>,
        %gather3A_131 = tpu.vector_load_idx %arg6[%gather3A_130] : memref<16384xi32, #tpu.memory_space<vmem>>[vector<16xi32>], vector<16xi32>,
        %shift_right_arithmetic3A_132 = arith.constant 5 : i32
        %shift_right_arithmetic3A_133 = vector.broadcast %shift_right_arithmetic3A_132 : i32 to vector<16xi32>
        %shift_right_arithmetic3A_134 = arith.shrsi %gather3A_131, %shift_right_arithmetic3A_133 : vector<16xi32>
        %gather3A_135 = tpu.vector_load_idx %arg7[%shift_right_arithmetic3A_134] : memref<31250xi32, #tpu.memory_space<vmem>>[vector<16xi32>], vector<16xi32>,
        %swap3A_136 = arith.constant 0 : i32
        %swap3A_137 = tpu.memref_slice %arg9[%rem3A_81, %swap3A_136] : memref<2x128xi32, #tpu.memory_space<vmem>> -> memref<1x128xi32, #tpu.memory_space<vmem>>
        %swap3A_138 = tpu.memref_squeeze %swap3A_137 : memref<1x128xi32, #tpu.memory_space<vmem>> -> memref<128xi32, #tpu.memory_space<vmem>>
        %swap3A_139 = arith.constant 32 : index
        %swap3A_140 = tpu.vector_load %swap3A_138[%swap3A_139] {strides = array<i32>} : memref<128xi32, #tpu.memory_space<vmem>>, vector<16xi32>,
        tpu.vector_store %swap3A_138[%swap3A_139], %gather3A_130 {strides = array<i32>} : memref<128xi32, #tpu.memory_space<vmem>>, vector<16xi32>,
        %swap3A_141 = arith.constant 0 : i32
        %swap3A_142 = tpu.memref_slice %arg10[%rem3A_81, %swap3A_141] : memref<2x128xi32, #tpu.memory_space<vmem>> -> memref<1x128xi32, #tpu.memory_space<vmem>>
        %swap3A_143 = tpu.memref_squeeze %swap3A_142 : memref<1x128xi32, #tpu.memory_space<vmem>> -> memref<128xi32, #tpu.memory_space<vmem>>
        %swap3A_144 = arith.constant 32 : index
        %swap3A_145 = tpu.vector_load %swap3A_143[%swap3A_144] {strides = array<i32>} : memref<128xi32, #tpu.memory_space<vmem>>, vector<16xi32>,
        tpu.vector_store %swap3A_143[%swap3A_144], %gather3A_135 {strides = array<i32>} : memref<128xi32, #tpu.memory_space<vmem>>, vector<16xi32>,
        %mul3A_146 = arith.constant 128 : i32
        %mul3A_147 = arith.muli %add3A_79, %mul3A_146 : i32
        %add3A_148 = arith.constant 48 : i32
        %add3A_149 = arith.addi %mul3A_147, %add3A_148 : i32
        %add3A_150 = vector.broadcast %add3A_149 : i32 to vector<16xi32>
        %add3A_151 = arith.addi %add3A_150, %iota3A : vector<16xi32>
        %gather3A_152 = tpu.vector_load_idx %arg8[%add3A_151] : memref<16512xi32, #tpu.memory_space<vmem>>[vector<16xi32>], vector<16xi32>,
        %gather3A_153 = tpu.vector_load_idx %arg6[%gather3A_152] : memref<16384xi32, #tpu.memory_space<vmem>>[vector<16xi32>], vector<16xi32>,
        %shift_right_arithmetic3A_154 = arith.constant 5 : i32
        %shift_right_arithmetic3A_155 = vector.broadcast %shift_right_arithmetic3A_154 : i32 to vector<16xi32>
        %shift_right_arithmetic3A_156 = arith.shrsi %gather3A_153, %shift_right_arithmetic3A_155 : vector<16xi32>
        %gather3A_157 = tpu.vector_load_idx %arg7[%shift_right_arithmetic3A_156] : memref<31250xi32, #tpu.memory_space<vmem>>[vector<16xi32>], vector<16xi32>,
        %swap3A_158 = arith.constant 0 : i32
        %swap3A_159 = tpu.memref_slice %arg9[%rem3A_81, %swap3A_158] : memref<2x128xi32, #tpu.memory_space<vmem>> -> memref<1x128xi32, #tpu.memory_space<vmem>>
        %swap3A_160 = tpu.memref_squeeze %swap3A_159 : memref<1x128xi32, #tpu.memory_space<vmem>> -> memref<128xi32, #tpu.memory_space<vmem>>
        %swap3A_161 = arith.constant 48 : index
        %swap3A_162 = tpu.vector_load %swap3A_160[%swap3A_161] {strides = array<i32>} : memref<128xi32, #tpu.memory_space<vmem>>, vector<16xi32>,
        tpu.vector_store %swap3A_160[%swap3A_161], %gather3A_152 {strides = array<i32>} : memref<128xi32, #tpu.memory_space<vmem>>, vector<16xi32>,
        %swap3A_163 = arith.constant 0 : i32
        %swap3A_164 = tpu.memref_slice %arg10[%rem3A_81, %swap3A_163] : memref<2x128xi32, #tpu.memory_space<vmem>> -> memref<1x128xi32, #tpu.memory_space<vmem>>
        %swap3A_165 = tpu.memref_squeeze %swap3A_164 : memref<1x128xi32, #tpu.memory_space<vmem>> -> memref<128xi32, #tpu.memory_space<vmem>>
        %swap3A_166 = arith.constant 48 : index
        %swap3A_167 = tpu.vector_load %swap3A_165[%swap3A_166] {strides = array<i32>} : memref<128xi32, #tpu.memory_space<vmem>>, vector<16xi32>,
        tpu.vector_store %swap3A_165[%swap3A_166], %gather3A_157 {strides = array<i32>} : memref<128xi32, #tpu.memory_space<vmem>>, vector<16xi32>,
        %mul3A_168 = arith.constant 128 : i32
        %mul3A_169 = arith.muli %add3A_79, %mul3A_168 : i32
        %add3A_170 = arith.constant 64 : i32
        %add3A_171 = arith.addi %mul3A_169, %add3A_170 : i32
        %add3A_172 = vector.broadcast %add3A_171 : i32 to vector<16xi32>
        %add3A_173 = arith.addi %add3A_172, %iota3A : vector<16xi32>
        %gather3A_174 = tpu.vector_load_idx %arg8[%add3A_173] : memref<16512xi32, #tpu.memory_space<vmem>>[vector<16xi32>], vector<16xi32>,
        %gather3A_175 = tpu.vector_load_idx %arg6[%gather3A_174] : memref<16384xi32, #tpu.memory_space<vmem>>[vector<16xi32>], vector<16xi32>,
        %shift_right_arithmetic3A_176 = arith.constant 5 : i32
        %shift_right_arithmetic3A_177 = vector.broadcast %shift_right_arithmetic3A_176 : i32 to vector<16xi32>
        %shift_right_arithmetic3A_178 = arith.shrsi %gather3A_175, %shift_right_arithmetic3A_177 : vector<16xi32>
        %gather3A_179 = tpu.vector_load_idx %arg7[%shift_right_arithmetic3A_178] : memref<31250xi32, #tpu.memory_space<vmem>>[vector<16xi32>], vector<16xi32>,
        %swap3A_180 = arith.constant 0 : i32
        %swap3A_181 = tpu.memref_slice %arg9[%rem3A_81, %swap3A_180] : memref<2x128xi32, #tpu.memory_space<vmem>> -> memref<1x128xi32, #tpu.memory_space<vmem>>
        %swap3A_182 = tpu.memref_squeeze %swap3A_181 : memref<1x128xi32, #tpu.memory_space<vmem>> -> memref<128xi32, #tpu.memory_space<vmem>>
        %swap3A_183 = arith.constant 64 : index
        %swap3A_184 = tpu.vector_load %swap3A_182[%swap3A_183] {strides = array<i32>} : memref<128xi32, #tpu.memory_space<vmem>>, vector<16xi32>,
        tpu.vector_store %swap3A_182[%swap3A_183], %gather3A_174 {strides = array<i32>} : memref<128xi32, #tpu.memory_space<vmem>>, vector<16xi32>,
        %swap3A_185 = arith.constant 0 : i32
        %swap3A_186 = tpu.memref_slice %arg10[%rem3A_81, %swap3A_185] : memref<2x128xi32, #tpu.memory_space<vmem>> -> memref<1x128xi32, #tpu.memory_space<vmem>>
        %swap3A_187 = tpu.memref_squeeze %swap3A_186 : memref<1x128xi32, #tpu.memory_space<vmem>> -> memref<128xi32, #tpu.memory_space<vmem>>
        %swap3A_188 = arith.constant 64 : index
        %swap3A_189 = tpu.vector_load %swap3A_187[%swap3A_188] {strides = array<i32>} : memref<128xi32, #tpu.memory_space<vmem>>, vector<16xi32>,
        tpu.vector_store %swap3A_187[%swap3A_188], %gather3A_179 {strides = array<i32>} : memref<128xi32, #tpu.memory_space<vmem>>, vector<16xi32>,
        %mul3A_190 = arith.constant 128 : i32
        %mul3A_191 = arith.muli %add3A_79, %mul3A_190 : i32
        %add3A_192 = arith.constant 80 : i32
        %add3A_193 = arith.addi %mul3A_191, %add3A_192 : i32
        %add3A_194 = vector.broadcast %add3A_193 : i32 to vector<16xi32>
        %add3A_195 = arith.addi %add3A_194, %iota3A : vector<16xi32>
        %gather3A_196 = tpu.vector_load_idx %arg8[%add3A_195] : memref<16512xi32, #tpu.memory_space<vmem>>[vector<16xi32>], vector<16xi32>,
        %gather3A_197 = tpu.vector_load_idx %arg6[%gather3A_196] : memref<16384xi32, #tpu.memory_space<vmem>>[vector<16xi32>], vector<16xi32>,
        %shift_right_arithmetic3A_198 = arith.constant 5 : i32
        %shift_right_arithmetic3A_199 = vector.broadcast %shift_right_arithmetic3A_198 : i32 to vector<16xi32>
        %shift_right_arithmetic3A_200 = arith.shrsi %gather3A_197, %shift_right_arithmetic3A_199 : vector<16xi32>
        %gather3A_201 = tpu.vector_load_idx %arg7[%shift_right_arithmetic3A_200] : memref<31250xi32, #tpu.memory_space<vmem>>[vector<16xi32>], vector<16xi32>,
        %swap3A_202 = arith.constant 0 : i32
        %swap3A_203 = tpu.memref_slice %arg9[%rem3A_81, %swap3A_202] : memref<2x128xi32, #tpu.memory_space<vmem>> -> memref<1x128xi32, #tpu.memory_space<vmem>>
        %swap3A_204 = tpu.memref_squeeze %swap3A_203 : memref<1x128xi32, #tpu.memory_space<vmem>> -> memref<128xi32, #tpu.memory_space<vmem>>
        %swap3A_205 = arith.constant 80 : index
        %swap3A_206 = tpu.vector_load %swap3A_204[%swap3A_205] {strides = array<i32>} : memref<128xi32, #tpu.memory_space<vmem>>, vector<16xi32>,
        tpu.vector_store %swap3A_204[%swap3A_205], %gather3A_196 {strides = array<i32>} : memref<128xi32, #tpu.memory_space<vmem>>, vector<16xi32>,
        %swap3A_207 = arith.constant 0 : i32
        %swap3A_208 = tpu.memref_slice %arg10[%rem3A_81, %swap3A_207] : memref<2x128xi32, #tpu.memory_space<vmem>> -> memref<1x128xi32, #tpu.memory_space<vmem>>
        %swap3A_209 = tpu.memref_squeeze %swap3A_208 : memref<1x128xi32, #tpu.memory_space<vmem>> -> memref<128xi32, #tpu.memory_space<vmem>>
        %swap3A_210 = arith.constant 80 : index
        %swap3A_211 = tpu.vector_load %swap3A_209[%swap3A_210] {strides = array<i32>} : memref<128xi32, #tpu.memory_space<vmem>>, vector<16xi32>,
        tpu.vector_store %swap3A_209[%swap3A_210], %gather3A_201 {strides = array<i32>} : memref<128xi32, #tpu.memory_space<vmem>>, vector<16xi32>,
        %mul3A_212 = arith.constant 128 : i32
        %mul3A_213 = arith.muli %add3A_79, %mul3A_212 : i32
        %add3A_214 = arith.constant 96 : i32
        %add3A_215 = arith.addi %mul3A_213, %add3A_214 : i32
        %add3A_216 = vector.broadcast %add3A_215 : i32 to vector<16xi32>
        %add3A_217 = arith.addi %add3A_216, %iota3A : vector<16xi32>
        %gather3A_218 = tpu.vector_load_idx %arg8[%add3A_217] : memref<16512xi32, #tpu.memory_space<vmem>>[vector<16xi32>], vector<16xi32>,
        %gather3A_219 = tpu.vector_load_idx %arg6[%gather3A_218] : memref<16384xi32, #tpu.memory_space<vmem>>[vector<16xi32>], vector<16xi32>,
        %shift_right_arithmetic3A_220 = arith.constant 5 : i32
        %shift_right_arithmetic3A_221 = vector.broadcast %shift_right_arithmetic3A_220 : i32 to vector<16xi32>
        %shift_right_arithmetic3A_222 = arith.shrsi %gather3A_219, %shift_right_arithmetic3A_221 : vector<16xi32>
        %gather3A_223 = tpu.vector_load_idx %arg7[%shift_right_arithmetic3A_222] : memref<31250xi32, #tpu.memory_space<vmem>>[vector<16xi32>], vector<16xi32>,
        %swap3A_224 = arith.constant 0 : i32
        %swap3A_225 = tpu.memref_slice %arg9[%rem3A_81, %swap3A_224] : memref<2x128xi32, #tpu.memory_space<vmem>> -> memref<1x128xi32, #tpu.memory_space<vmem>>
        %swap3A_226 = tpu.memref_squeeze %swap3A_225 : memref<1x128xi32, #tpu.memory_space<vmem>> -> memref<128xi32, #tpu.memory_space<vmem>>
        %swap3A_227 = arith.constant 96 : index
        %swap3A_228 = tpu.vector_load %swap3A_226[%swap3A_227] {strides = array<i32>} : memref<128xi32, #tpu.memory_space<vmem>>, vector<16xi32>,
        tpu.vector_store %swap3A_226[%swap3A_227], %gather3A_218 {strides = array<i32>} : memref<128xi32, #tpu.memory_space<vmem>>, vector<16xi32>,
        %swap3A_229 = arith.constant 0 : i32
        %swap3A_230 = tpu.memref_slice %arg10[%rem3A_81, %swap3A_229] : memref<2x128xi32, #tpu.memory_space<vmem>> -> memref<1x128xi32, #tpu.memory_space<vmem>>
        %swap3A_231 = tpu.memref_squeeze %swap3A_230 : memref<1x128xi32, #tpu.memory_space<vmem>> -> memref<128xi32, #tpu.memory_space<vmem>>
        %swap3A_232 = arith.constant 96 : index
        %swap3A_233 = tpu.vector_load %swap3A_231[%swap3A_232] {strides = array<i32>} : memref<128xi32, #tpu.memory_space<vmem>>, vector<16xi32>,
        tpu.vector_store %swap3A_231[%swap3A_232], %gather3A_223 {strides = array<i32>} : memref<128xi32, #tpu.memory_space<vmem>>, vector<16xi32>,
        %mul3A_234 = arith.constant 128 : i32
        %mul3A_235 = arith.muli %add3A_79, %mul3A_234 : i32
        %add3A_236 = arith.constant 112 : i32
        %add3A_237 = arith.addi %mul3A_235, %add3A_236 : i32
        %add3A_238 = vector.broadcast %add3A_237 : i32 to vector<16xi32>
        %add3A_239 = arith.addi %add3A_238, %iota3A : vector<16xi32>
        %gather3A_240 = tpu.vector_load_idx %arg8[%add3A_239] : memref<16512xi32, #tpu.memory_space<vmem>>[vector<16xi32>], vector<16xi32>,
        %gather3A_241 = tpu.vector_load_idx %arg6[%gather3A_240] : memref<16384xi32, #tpu.memory_space<vmem>>[vector<16xi32>], vector<16xi32>,
        %shift_right_arithmetic3A_242 = arith.constant 5 : i32
        %shift_right_arithmetic3A_243 = vector.broadcast %shift_right_arithmetic3A_242 : i32 to vector<16xi32>
        %shift_right_arithmetic3A_244 = arith.shrsi %gather3A_241, %shift_right_arithmetic3A_243 : vector<16xi32>
        %gather3A_245 = tpu.vector_load_idx %arg7[%shift_right_arithmetic3A_244] : memref<31250xi32, #tpu.memory_space<vmem>>[vector<16xi32>], vector<16xi32>,
        %swap3A_246 = arith.constant 0 : i32
        %swap3A_247 = tpu.memref_slice %arg9[%rem3A_81, %swap3A_246] : memref<2x128xi32, #tpu.memory_space<vmem>> -> memref<1x128xi32, #tpu.memory_space<vmem>>
        %swap3A_248 = tpu.memref_squeeze %swap3A_247 : memref<1x128xi32, #tpu.memory_space<vmem>> -> memref<128xi32, #tpu.memory_space<vmem>>
        %swap3A_249 = arith.constant 112 : index
        %swap3A_250 = tpu.vector_load %swap3A_248[%swap3A_249] {strides = array<i32>} : memref<128xi32, #tpu.memory_space<vmem>>, vector<16xi32>,
        tpu.vector_store %swap3A_248[%swap3A_249], %gather3A_240 {strides = array<i32>} : memref<128xi32, #tpu.memory_space<vmem>>, vector<16xi32>,
        %swap3A_251 = arith.constant 0 : i32
        %swap3A_252 = tpu.memref_slice %arg10[%rem3A_81, %swap3A_251] : memref<2x128xi32, #tpu.memory_space<vmem>> -> memref<1x128xi32, #tpu.memory_space<vmem>>
        %swap3A_253 = tpu.memref_squeeze %swap3A_252 : memref<1x128xi32, #tpu.memory_space<vmem>> -> memref<128xi32, #tpu.memory_space<vmem>>
        %swap3A_254 = arith.constant 112 : index
        %swap3A_255 = tpu.vector_load %swap3A_253[%swap3A_254] {strides = array<i32>} : memref<128xi32, #tpu.memory_space<vmem>>, vector<16xi32>,
        tpu.vector_store %swap3A_253[%swap3A_254], %gather3A_245 {strides = array<i32>} : memref<128xi32, #tpu.memory_space<vmem>>, vector<16xi32>,
        %dma_start3A = arith.constant 0 : i32
        %dma_start3A_256 = arith.constant 0 : i32
        %dma_start3A_257 = tpu.memref_slice %arg11[%rem3A_81, %dma_start3A, %dma_start3A_256] : memref<2x128x64xf32, #tpu.memory_space<vmem>> -> memref<1x128x64xf32, #tpu.memory_space<vmem>>
        %dma_start3A_258 = tpu.memref_squeeze %dma_start3A_257 : memref<1x128x64xf32, #tpu.memory_space<vmem>> -> memref<128x64xf32, #tpu.memory_space<vmem>>
        %dma_start3A_259 = arith.constant 0 : i32
        %dma_start3A_260 = tpu.memref_slice %arg10[%rem3A_81, %dma_start3A_259] : memref<2x128xi32, #tpu.memory_space<vmem>> -> memref<1x128xi32, #tpu.memory_space<vmem>>
        %dma_start3A_261 = tpu.memref_squeeze %dma_start3A_260 : memref<1x128xi32, #tpu.memory_space<vmem>> -> memref<128xi32, #tpu.memory_space<vmem>>
        %dma_start3A_262 = arith.constant 0 : i32
        %dma_start3A_263 = arith.constant 0 : i32
        %dma_start3A_264 = tpu.memref_slice %arg3[%dma_start3A_262, %dma_start3A_263] : memref<16384x64xf32, #tpu.memory_space<hbm>> -> memref<16384x64xf32, #tpu.memory_space<hbm>>
        %dma_start3A_265 = tpu.memref_slice %arg12[%rem3A_81] : memref<2x!tpu.dma_semaphore, #tpu.memory_space<semaphore_mem>> -> memref<1x!tpu.dma_semaphore, #tpu.memory_space<semaphore_mem>>
        %dma_start3A_266 = tpu.memref_squeeze %dma_start3A_265 : memref<1x!tpu.dma_semaphore, #tpu.memory_space<semaphore_mem>> -> memref<!tpu.dma_semaphore, #tpu.memory_space<semaphore_mem>>
        tpu.enqueue_indirect_dma source(%dma_start3A_264 : memref<16384x64xf32, #tpu.memory_space<hbm>>) target(%dma_start3A_258 : memref<128x64xf32, #tpu.memory_space<vmem>>) offsets(%dma_start3A_261 : memref<128xi32, #tpu.memory_space<vmem>>) semaphore(%dma_start3A_266 : memref<!tpu.dma_semaphore, #tpu.memory_space<semaphore_mem>>)
      } else {
      }
      %rem3A = arith.constant 2 : i32
      %rem3A_64 = arith.remsi %while3A_56, %rem3A : i32
      %dma_wait3A = arith.constant 0 : i32
      %dma_wait3A_65 = arith.constant 0 : i32
      %dma_wait3A_66 = tpu.memref_slice %arg11[%rem3A_64, %dma_wait3A, %dma_wait3A_65] : memref<2x128x64xf32, #tpu.memory_space<vmem>> -> memref<1x128x64xf32, #tpu.memory_space<vmem>>
      %dma_wait3A_67 = tpu.memref_squeeze %dma_wait3A_66 : memref<1x128x64xf32, #tpu.memory_space<vmem>> -> memref<128x64xf32, #tpu.memory_space<vmem>>
      %dma_wait3A_68 = arith.constant 0 : i32
      %dma_wait3A_69 = tpu.memref_slice %arg10[%rem3A_64, %dma_wait3A_68] : memref<2x128xi32, #tpu.memory_space<vmem>> -> memref<1x128xi32, #tpu.memory_space<vmem>>
      %dma_wait3A_70 = tpu.memref_squeeze %dma_wait3A_69 : memref<1x128xi32, #tpu.memory_space<vmem>> -> memref<128xi32, #tpu.memory_space<vmem>>
      %dma_wait3A_71 = arith.constant 0 : i32
      %dma_wait3A_72 = arith.constant 0 : i32
      %dma_wait3A_73 = tpu.memref_slice %arg3[%dma_wait3A_71, %dma_wait3A_72] : memref<16384x64xf32, #tpu.memory_space<hbm>> -> memref<16384x64xf32, #tpu.memory_space<hbm>>
      %dma_wait3A_74 = tpu.memref_slice %arg12[%rem3A_64] : memref<2x!tpu.dma_semaphore, #tpu.memory_space<semaphore_mem>> -> memref<1x!tpu.dma_semaphore, #tpu.memory_space<semaphore_mem>>
      %dma_wait3A_75 = tpu.memref_squeeze %dma_wait3A_74 : memref<1x!tpu.dma_semaphore, #tpu.memory_space<semaphore_mem>> -> memref<!tpu.dma_semaphore, #tpu.memory_space<semaphore_mem>>
      tpu.wait_indirect_dma semaphore(%dma_wait3A_75 : memref<!tpu.dma_semaphore, #tpu.memory_space<semaphore_mem>>) src(%dma_wait3A_73 : memref<16384x64xf32, #tpu.memory_space<hbm>>) dst(%dma_wait3A_67 : memref<128x64xf32, #tpu.memory_space<vmem>>)
      "tpu.region"() ({
        %run_scoped3A = tpu.sem_alloc : memref<!tpu.dma_semaphore, #tpu.memory_space<semaphore_mem>>
        %dma_start3A = arith.constant 0 : i32
        %dma_start3A_78 = arith.constant 0 : i32
        %dma_start3A_79 = tpu.memref_slice %arg11[%rem3A_64, %dma_start3A, %dma_start3A_78] : memref<2x128x64xf32, #tpu.memory_space<vmem>> -> memref<1x128x64xf32, #tpu.memory_space<vmem>>
        %dma_start3A_80 = tpu.memref_squeeze %dma_start3A_79 : memref<1x128x64xf32, #tpu.memory_space<vmem>> -> memref<128x64xf32, #tpu.memory_space<vmem>>
        %dma_start3A_81 = arith.constant 0 : i32
        %dma_start3A_82 = tpu.memref_slice %arg9[%rem3A_64, %dma_start3A_81] : memref<2x128xi32, #tpu.memory_space<vmem>> -> memref<1x128xi32, #tpu.memory_space<vmem>>
        %dma_start3A_83 = tpu.memref_squeeze %dma_start3A_82 : memref<1x128xi32, #tpu.memory_space<vmem>> -> memref<128xi32, #tpu.memory_space<vmem>>
        %dma_start3A_84 = arith.constant 0 : i32
        %dma_start3A_85 = arith.constant 0 : i32
        %dma_start3A_86 = tpu.memref_slice %arg4[%dma_start3A_84, %dma_start3A_85] : memref<16384x64xf32, #tpu.memory_space<hbm>> -> memref<16384x64xf32, #tpu.memory_space<hbm>>
        tpu.enqueue_indirect_dma source(%dma_start3A_80 : memref<128x64xf32, #tpu.memory_space<vmem>>) target(%dma_start3A_86 : memref<16384x64xf32, #tpu.memory_space<hbm>>) offsets(%dma_start3A_83 : memref<128xi32, #tpu.memory_space<vmem>>) semaphore(%run_scoped3A : memref<!tpu.dma_semaphore, #tpu.memory_space<semaphore_mem>>)
        %dma_wait3A_87 = arith.constant 0 : i32
        %dma_wait3A_88 = arith.constant 0 : i32
        %dma_wait3A_89 = tpu.memref_slice %arg11[%rem3A_64, %dma_wait3A_87, %dma_wait3A_88] : memref<2x128x64xf32, #tpu.memory_space<vmem>> -> memref<1x128x64xf32, #tpu.memory_space<vmem>>
        %dma_wait3A_90 = tpu.memref_squeeze %dma_wait3A_89 : memref<1x128x64xf32, #tpu.memory_space<vmem>> -> memref<128x64xf32, #tpu.memory_space<vmem>>
        %dma_wait3A_91 = arith.constant 0 : i32
        %dma_wait3A_92 = tpu.memref_slice %arg9[%rem3A_64, %dma_wait3A_91] : memref<2x128xi32, #tpu.memory_space<vmem>> -> memref<1x128xi32, #tpu.memory_space<vmem>>
        %dma_wait3A_93 = tpu.memref_squeeze %dma_wait3A_92 : memref<1x128xi32, #tpu.memory_space<vmem>> -> memref<128xi32, #tpu.memory_space<vmem>>
        %dma_wait3A_94 = arith.constant 0 : i32
        %dma_wait3A_95 = arith.constant 0 : i32
        %dma_wait3A_96 = tpu.memref_slice %arg4[%dma_wait3A_94, %dma_wait3A_95] : memref<16384x64xf32, #tpu.memory_space<hbm>> -> memref<16384x64xf32, #tpu.memory_space<hbm>>
        tpu.wait_indirect_dma semaphore(%run_scoped3A : memref<!tpu.dma_semaphore, #tpu.memory_space<semaphore_mem>>) src(%dma_wait3A_90 : memref<128x64xf32, #tpu.memory_space<vmem>>) dst(%dma_wait3A_96 : memref<16384x64xf32, #tpu.memory_space<hbm>>)
        tpu.yield
      }) : () -> ()
      %add3A_76 = arith.constant 1 : i32
      %add3A_77 = arith.addi %while3A_56, %add3A_76 : i32
      scf.yield %add3A_77 : i32
    }
    return
  }
}

</mosaic_0001>

<sc_bundles>
// kernel: _run.3.cloned.1.call-start
scs
__scs_entry_jumppad:
0x0: {  	(pc) =	sbr.rel $0x88, $3  }
0x1: {  	(tag) =	ssettag $0x0;
	lr =	simm.s32 $0x1  }
0x2: {  	[smem:$0x3F9F] =	sst lr;
	_ =	strace $0xD0000000  }
0x3: {  	_ = 	snop  }
0x4: {  	_ = 	snop  }
0x5: {  	_ = 	snop  }
0x6: {  	_ = 	snop  }
0x7: {  	_ = 	snop  }
__scs_overlays_trampoline_lowered:
0x8: {  	[smem:$0x3FAE] =	sst s0  }
0x9: {  	[smem:$0x3FAF] =	sst s1  }
0xa: {  	[smem:$0x3FB0] =	sst s2  }
0xb: {  	[smem:$0x3FB1] =	sst s3  }
0xc: {  	[smem:$0x3FB2] =	sst s4  }
0xd: {  	[smem:$0x3FB3] =	sst s5  }
0xe: {  	[smem:$0x3FB4] =	sst s6  }
0xf: {  	[smem:$0x3FB5] =	sst s7  }
0x10: {  	[smem:$0x3FB6] =	sst s8  }
0x11: {  	[smem:$0x3FB7] =	sst s9;
	s0 =	simm.s32 @!p0 $0x0  }
0x12: {  	s1 =	sld [smem:$0x3F9D];
	s0 =	simm.s32 @p0 $0x1  }
0x13: {  	[smem:$0x3FB8] =	sst s0;
	s0 =	simm.s32 @!p1 $0x0  }
0x14: {  	s2 =	sld [smem:$0x3F9C];
	s0 =	simm.s32 @p1 $0x1  }
0x15: {  	[smem:$0x3FB9] =	sst s0;
	s0 =	simm.s32 @!p2 $0x0  }
0x16: {  	s3 =	sld [smem:$0x3FDB];
	s0 =	simm.s32 @p2 $0x1  }
0x17: {  	s4 =	simm.s32 $0x1BF5;
	[smem:$0x3FBB] =	sst s0  }
0x18: {  	s0 =	sld [smem:$0x3F9E];
	_ =	swait.ge [sflag:s4], $0x0  }
0x19: {  	s7 =	sld [smem:$0x3F9F]  }
0x1a: {  	s8 =	sadd.s32 $0xFFFFE003, lr  }
0x1b: {  	s9 =	sadd.s32 $0xFFFFFEF7, lr;
	s5 =	simm.s32 $0xFFFFFFFF;
	p2 =	slt.u32 s8, $0xFFFFF086  }
0x1c: {  	p1 =	slt.u32 s9, $0xF7A;
	s5 =	simm.s32 @!p2 $0x0  }
0x1d: {  	s5 =	simm.s32 @p1 $0x1;
	p0 =	seq.s32 s7, s2  }
0x1e: {  	s7 =	smul.u32 @!p0 $0xF7A, s2;
	p2 =	seq.s32 @!p0 s5, $0x0  }
0x1f: {  	s9 =	smul.u32 $0xF7A, s1;
	s8 =	simm.s32 @!p0 $0x1BF5;
	p2 =	por !p2, p0  }
0x20: {  	[sflag:s8] =	ssyncset.s32 @!p0 $0xFFFFF086;
	s6 =	sadd.s32 @!p0 s3, s7;
	s7 =	simm.s32 @!p0 $0x108  }
0x21: {  	s3 =	sadd.s32 s3, s9;
	s6 =	sadd.s32 @!p0 $0x88, s6;
	s7 =	simm.s32 @p2 $0x1082  }
0x22: {  	[simem:s7], [sflag:s8] =	dma.local @!p0 [hbm:s6], $0xF7A  }
0x23: {  	s9 =	sor.u32 $0xD0000000, s2;
	s6 =	simm.s32 $0x108;
	_ =	swait.ge @!p0 [sflag:s8], $0x0  }
0x24: {  	s3 =	sadd.s32 $0x88, s3;
	s6 =	simm.s32 @!p1 $0x1082;
	[sflag:s4] =	ssyncset.s32 $0xFFFFF086  }
0x25: {  	[simem:s6], [sflag:s4] =	dma.local [hbm:s3], $0xF7A  }
0x26: {  	[smem:$0x3F9F] =	sst s1;
	(tag) =	ssettag s2;
	_ =	strace s9  }
0x27: {  	s1 =	sld [smem:$0x3FAF]  }
0x28: {  	s2 =	sld [smem:$0x3FB0]  }
0x29: {  	s4 =	sld [smem:$0x3FB2]  }
0x2a: {  	p0 =	seq.s32 s5, $0x0;
	s5 =	sld [smem:$0x3FB3]  }
0x2b: {  	s6 =	sld [smem:$0x3FB4]  }
0x2c: {  	s7 =	sld [smem:$0x3FB5]  }
0x2d: {  	s3 =	simm.s32 $0x108;
	s8 =	sld [smem:$0x3FB6]  }
0x2e: {  	s3 =	simm.s32 @!p0 $0x1082;
	s9 =	sld [smem:$0x3FB7]  }
0x2f: {  	lr =	sadd.s32 s0, s3;
	s0 =	sld [smem:$0x3FAE]  }
0x30: {  	s3 =	sld [smem:$0x3FB1]  }
0x31: {  	[smem:$0x3FBA] =	sst s10  }
0x32: {  	s10 =	sld [smem:$0x3FB8];
	_ =	sdelay $0x3  }
0x33: {  	p0 =	seq.s32 s10, $0x1;
	s10 =	sld [smem:$0x3FBA];
	_ =	sdelay $0x3  }
0x34: {  	[smem:$0x3FBA] =	sst s10  }
0x35: {  	s10 =	sld [smem:$0x3FB9];
	_ =	sdelay $0x3  }
0x36: {  	p1 =	seq.s32 s10, $0x1;
	s10 =	sld [smem:$0x3FBA];
	_ =	sdelay $0x3  }
0x37: {  	[smem:$0x3FBA] =	sst s10  }
0x38: {  	s10 =	sld [smem:$0x3FBB]  }
0x39: {  	_ = 	snop;
	(pc) =	sbr.ind lr, $3  }
0x3a: {  	_ = 	snop  }
0x3b: {  	_ = 	snop  }
0x3c: {  	p2 =	seq.s32 s10, $0x1;
	s10 =	sld [smem:$0x3FBA]  }
0x3d: {  	_ =	shalt  }
0x3e: {  	_ =	shalt  }
0x3f: {  	_ =	shalt  }
0x40: {  	_ =	shalt  }
0x41: {  	_ =	shalt  }
0x42: {  	_ =	shalt  }
0x43: {  	_ =	shalt  }
0x44: {  	_ =	shalt  }
0x45: {  	_ =	shalt  }
0x46: {  	_ =	shalt  }
0x47: {  	_ =	shalt  }
0x48: {  	_ =	shalt  }
0x49: {  	_ =	shalt  }
0x4a: {  	_ =	shalt  }
0x4b: {  	_ =	shalt  }
0x4c: {  	_ =	shalt  }
0x4d: {  	_ =	shalt  }
0x4e: {  	_ =	shalt  }
0x4f: {  	_ =	shalt  }
0x50: {  	_ =	shalt  }
0x51: {  	_ =	shalt  }
0x52: {  	_ =	shalt  }
0x53: {  	_ =	shalt  }
0x54: {  	_ =	shalt  }
0x55: {  	_ =	shalt  }
0x56: {  	_ =	shalt  }
0x57: {  	_ =	shalt  }
0x58: {  	_ =	shalt  }
0x59: {  	_ =	shalt  }
0x5a: {  	_ =	shalt  }
0x5b: {  	_ =	shalt  }
0x5c: {  	_ =	shalt  }
0x5d: {  	_ =	shalt  }
0x5e: {  	_ =	shalt  }
0x5f: {  	_ =	shalt  }
0x60: {  	_ =	shalt  }
0x61: {  	_ =	shalt  }
0x62: {  	_ =	shalt  }
0x63: {  	_ =	shalt  }
0x64: {  	_ =	shalt  }
0x65: {  	_ =	shalt  }
0x66: {  	_ =	shalt  }
0x67: {  	_ =	shalt  }
0x68: {  	_ =	shalt  }
0x69: {  	_ =	shalt  }
0x6a: {  	_ =	shalt  }
0x6b: {  	_ =	shalt  }
0x6c: {  	_ =	shalt  }
0x6d: {  	_ =	shalt  }
0x6e: {  	_ =	shalt  }
0x6f: {  	_ =	shalt  }
0x70: {  	_ =	shalt  }
0x71: {  	_ =	shalt  }
0x72: {  	_ =	shalt  }
0x73: {  	_ =	shalt  }
0x74: {  	_ =	shalt  }
0x75: {  	_ =	shalt  }
0x76: {  	_ =	shalt  }
0x77: {  	_ =	shalt  }
0x78: {  	_ =	shalt  }
0x79: {  	_ =	shalt  }
0x7a: {  	_ =	shalt  }
0x7b: {  	_ =	shalt  }
0x7c: {  	_ =	shalt  }
0x7d: {  	_ =	shalt  }
0x7e: {  	_ =	shalt  }
0x7f: {  	_ =	shalt  }
0x80: {  	_ =	shalt  }
0x81: {  	_ =	shalt  }
0x82: {  	_ =	shalt  }
0x83: {  	_ =	shalt  }
0x84: {  	_ =	shalt  }
0x85: {  	_ =	shalt  }
0x86: {  	_ =	shalt  }
0x87: {  	_ =	shalt  }
.Lfunc_end0:
.L_simem_size_0:
called_computation_lowered:
.L_overlay_start_0:
0x88: {  	s2 =	sld [smem:$0x3FD9]  }
0x89: {  	s3 =	sld [smem:$0x3FFE];
	_ =	sdelay $0x1  }
0x8a: {  	s1 =	srdreg.scid  }
0x8b: {  	s0 =	sand.u32 $0x1, s1  }
0x8c: {  	s17 =	sshll.u32 s0, $0xA;
	s2 =	sadd.s32 s3, s2  }
0x8d: {  	s2 =	sadd.s32 s2, s17  }
0x8e: {  	[smem:$0x3FC6] =	sst s2  }
0x8f: {  	_ = 	snop  }
0x90: {  	s2 =	sld [smem:$0x3FC9]  }
0x91: {  	s18 =	sld [smem:$0x3FD0];
	(tm) =	ssettm $0x1  }
0x92: {  	s4 =	sld [smem:$0x3FFB];
	_ =	sdelay $0x3  }
0x93: {  	_ =	strace s4  }
0x94: {  	s4 =	sld [smem:$0x3FFC];
	_ =	sdelay $0x3  }
0x95: {  	_ =	strace s4  }
0x96: {  	s4 =	sld [smem:$0x3FFD];
	_ =	sdelay $0x3  }
0x97: {  	_ =	strace s4  }
0x98: {  	_ =	strace $0x8FFFFFFF  }
0x99: {  	s19 =	sld [smem:$0x3FDB];
	_ =	sdelay $0x1  }
0x9a: {  	s5 =	simm.s32 $_scs_section_size  }
0x9b: {  	s6 =	simm.s32 $_size__tile_overlayer_lowered;
	s7 =	simm.s32 $_tile_overlayer_lowered  }
0x9c: {  	s22 =	simm.s32 $0x1BFF;
	s21 =	sshll.u32 s7, $0x1;
	s4 =	sadd.s32 s5, s19  }
0x9d: {  	s8 =	simm.s32 $0x0;
	s20 =	sshll.u32 s6, $0x1;
	s6 =	sadd.s32 s21, s4  }
0x9e: {  	[timem:s8], [sflag:s22] =	dma.local [hbm:s6], s20  }
0x9f: {  	_ =	swait.ge [sflag:s22], s20  }
0xa0: {  	s5 =	ssub.s32 $0x0, s20;
	[sflag:s22] =	ssyncset.done $0x0  }
0xa1: {  	[sflag:s22] =	ssyncadd.s32 s5;
	_ =	sdelay $0x1  }
0xa2: {  	s23 =	simm.s32 $0x1B8B  }
0xa3: {  	_ =	swait.ge [sflag:s23], $0x1  }
0xa4: {  	[sflag:s23] =	ssyncset.done $0x0  }
0xa5: {  	s25 =	simm.s32 $0x1B8E;
	s24 =	sld [smem:$0x3FFE];
	[sflag:s23] =	ssyncadd.s32 $0xFFFFFFFF  }
0xa6: {  	s26 =	simm.s32 $execute0_lowered;
	[smem:$0x3FD2] =	sst s25  }
0xa7: {  	s6 =	sshll.u32 s26, $0x1;
	_ =	strace $0x80000046;
	[dreg:$0x1] =	wrdreg $0xFFFFFFFF  }
0xa8: {  	s28 =	simm.s32 $_size_execute0_lowered;
	s4 =	sadd.s32 s4, s6;
	[dreg:$0x0] =	wrdreg $0x0  }
0xa9: {  	s6 =	sshll.u32 s28, $0x1;
	[dreg:$0x2] =	wrdreg s4  }
0xaa: {  	[dreg:$0x3] =	wrdreg s6  }
0xab: {  	[dreg:$0x4] =	wrdreg $0xC0  }
0xac: {  	_ =	task [dreg:s8], $0x5FFFF  }
0xad: {  	[dreg:$0x1] =	wrdreg $0xFFFFFFFF  }
0xae: {  	[dreg:$0x0] =	wrdreg $0x60  }
0xaf: {  	[dreg:$0x2] =	wrdreg s2  }
0xb0: {  	[dreg:$0x3] =	wrdreg s18  }
0xb1: {  	[dreg:$0x4] =	wrdreg s24  }
0xb2: {  	[dreg:$0x5] =	wrdreg $0x0  }
0xb3: {  	[dreg:$0x6] =	wrdreg $0x9  }
0xb4: {  	_ =	task.clear_ibuf [dreg:s8], $0x7FFFF;
	_ =	strace $0x90000046  }
0xb5: {  	s29 =	simm.s32 $0x9;
	_ =	strace $0x80000048  }
0xb6: {  	_ =	swait.ge [sflag:s29], $0x1  }
0xb7: {  	[sflag:s29] =	ssyncadd.s32 $0xFFFFFFFF  }
0xb8: {  	_ =	strace $0x90000048  }
0xb9: {  	_ =	sfence  }
0xba: {  	s30 =	sld [smem:$0x0];
	_ =	sdelay $0x2  }
0xbb: {  	s31 =	sshll.u32 s1, $0xD;
	s1 =	sshrl.u32 s1, $0x2  }
0xbc: {  	s3 =	sand.u32 $0x4000, s31;
	s1 =	sadd.s32 s1, s30  }
0xbd: {  	s0 =	sor.u32 s3, s0;
	s1 =	sshll.u32 s1, $0x11  }
0xbe: {  	s0 =	sor.u32 s1, s0  }
0xbf: {  	s0 =	sadd.s32 $0x8F2B, s0  }
0xc0: {  	[sflag:s0] =	ssyncadd.remote.s32 $0x1  }
0xc1: {  	_ =	sfence.sel $0xFFFF  }
0xc2: {  	[dreg:$0x0] =	wrdreg $0xFFFFFFFF;
	(pc) =	sbr.abs _section_cstart, $3  }
0xc3: {  	[dreg:$0x1] =	wrdreg $0xFFFFFFFF  }
0xc4: {  	_ =	task.clear_ibuf [dreg:s8], $0x2FFFF;
	_ =	strace $0x9FFFFFFF  }
0xc5: {  	(tm) =	ssettm $0x7FFFFFFF  }
tec
execute0_lowered:
.L_overlay_start_1:
0x0: {  	(tag) =	ssettag $0x1  }
0x1: {  	s6 =	rddreg [dreg:$0x0]  }
0x2: {  	s1 =	rddreg [dreg:$0x1]  }
0x3: {  	s5 =	rddreg [dreg:$0x2]  }
0x4: {  	s2 =	rddreg [dreg:$0x3]  }
0x5: {  	s3 =	srdreg.scid;
	s0 =	rddreg [dreg:$0x4]  }
0x6: {  	s4 =	simm.s32 $0x0;
	s13 =	simm.s32 $0xBE18;
	s14 =	simm.s32 $0xFF98  }
0x7: {  	s15 =	simm.s32 $0x10098;
	s16 =	simm.s32 $0x80;
	s7 =	sand.u32 $0x1, s3  }
0x8: {  	[smem:$0x7FF] =	sst s4;
	s3 =	stileid.u32;
	s5 =	sadd.s32 $0x400, s5  }
0x9: {  	s8 =	ssub.s32 $0x2, s7;
	_ =	strace $0x80000047;
	s10 =	sshll.u32 s3, $0x1  }
.Ltmp0:
0xa: {  	s30 =	sshll.u32 s3, $0xA;
	s31 =	sshll.u32 s3, $0x7;
	(pc) =	sbr.rel .LBB2_1-.Ltmp0, $4  }
0xb: {  	v0 =	vlaneseq.u32;
	s11 =	sshll.u32 s3, $0x6;
	s9 =	sshrl.u32 s8, $0x1;
	s29 =	sor.u32 s7, s10  }
0xc: {  	v2 =	vimm.s32 $0x0;
	v3 =	vor.u32 $0x10, v0;
	v4 =	vor.u32 $0x20, v0;
	s12 =	sadd.s32 s30, s2;
	s6 =	sadd.s32 s6, s31;
	s7 =	sor.u32 $0x1C03, s11  }
0xd: {  	v5 =	vor.u32 $0x30, v0;
	v6 =	vor.u32 $0x40, v0;
	v7 =	vor.u32 $0x50, v0;
	s10 =	simm.s32 $0x3;
	s11 =	simm.s32 $0x400;
	s8 =	ssub.s32 s8, s9  }
0xe: {  	v8 =	vor.u32 $0x60, v0;
	v9 =	vor.u32 $0x70, v0;
	v1 =	vmov s29;
	s9 =	sshrl.u32 s12, $0x3;
	s12 =	simm.s32 $0x4400;
	s8 =	smax.u32 s8, $0x1  }
.LBB2_8:
0xf: {  	s4 =	sadd.s32 $0x1, s4  }
0x10: {  	p0 =	sne.s32 s4, s8  }
.Ltmp1:
0x11: {  	_ = 	snop;
	(pc) =	sbr.rel @!p0 .LBB2_9-.Ltmp1, $1  }
0x12: {  	_ =	sdelay $0x3  }
.LBB2_1:
0x13: {  	[spmem:s9], [sflag:s7] =	dma.local [hbm:s6], $0x80  }
0x14: {  	_ =	swait.ge [sflag:s10], $0x80  }
0x15: {  	[sflag:s10] =	ssyncset.done $0x0  }
0x16: {  	[sflag:s10] =	ssyncadd.s32 $0xFFFFFF80  }
0x17: {  	[bflag:$0x0] =	sbarrier.arrive $0xFFFF  }
0x18: {  	[tilespmem:s11], [sflag:$0x3] =	stream.linear.gather [spmem:s2], $0x4000, $0x38;
	[tilespmem:$0x14098] =	vst v63  }
0x19: {  	_ =	swait.ge [sflag:s10], $0x4000  }
0x1a: {  	[sflag:s10] =	ssyncset.done $0x0  }
0x1b: {  	s17 =	simm.s32 $0x440;
	[sflag:s10] =	ssyncadd.s32 $0xFFFFC000  }
0x1c: {  	v17 =	vld [tilespmem:s17+$0xFFFFFFC0];
	_ =	sdelay $0x1  }
0x1d: {  	v16 =	vld [tilespmem:s17+$0xFFFFFFD0];
	_ =	sdelay $0x1  }
0x1e: {  	v15 =	vld [tilespmem:s17+$0xFFFFFFE0]  }
0x1f: {  	v12 =	vld [tilespmem:s17+$0xFFFFFFF0];
	v10 =	vand.u32 $0x1F, v17  }
0x20: {  	vm6 =	veq.s32 v10, v1  }
0x21: {  	v11 =	vld [tilespmem:s17+$0x0];
	v10 =	vand.u32 $0x1F, v16;
	v13 =	vsel vm6, $0x1, v2;
	(xrf1) =	vunique.msk.u32 vm6, v17  }
0x22: {  	vm4 =	veq.s32 v10, v1;
	(xrf0) =	vadd.scan.msk.s32 $0xffff, v13  }
0x23: {  	v10 =	vsel vm4, $0x1, v2;
	v13 =	vand.u32 $0x1F, v15;
	(xrf1) =	vunique.msk.u32 vm4, v16  }
0x24: {  	v14 =	vand.u32 $0x1F, v12;
	vm3 =	veq.s32 v13, v1;
	v13 =	vld [tilespmem:s17+$0x10];
	(xrf0) =	vadd.scan.msk.s32 $0xffff, v10  }
0x25: {  	vm0 =	veq.s32 v14, v1;
	(xrf1) =	vunique.msk.u32 vm3, v15  }
0x26: {  	v19 =	vand.u32 $0x1F, v11;
	v14 =	vld [tilespmem:s17+$0x20];
	v10 =	vsel vm3, $0x1, v2;
	(xrf1) =	vunique.msk.u32 vm0, v12  }
0x27: {  	vm1 =	veq.s32 v19, v1;
	v18 =	vsel vm0, $0x1, v2;
	v20 =	vmpcnt.ones.xlane vm6;
	(xrf0) =	vadd.scan.msk.s32 $0xffff, v10  }
0x28: {  	v19 =	vsel vm1, $0x1, v2;
	v10 =	vld [tilespmem:s17+$0x30];
	(xrf0) =	vadd.scan.msk.s32 $0xffff, v18  }
0x29: {  	v24 =	vmpcnt.ones.xlane vm0;
	v22 =	vmpcnt.ones.xlane vm4;
	(xrf1) =	vunique.msk.u32 vm1, v11;
	v21 =	vand.u32 $0x1F, v13  }
0x2a: {  	v18 =	vmpcnt.ones.xlane vm3;
	(xrf0) =	vadd.scan.msk.s32 $0xffff, v19;
	vm2 =	veq.s32 v21, v1;
	v21 =	vadd.s32 v2, v20  }
0x2b: {  	v27 =	vand.u32 $0x1F, v14;
	v20, _, _ =	vpop (xrf0);
	v26 =	vsel vm2, $0x1, v2;
	v19 =	vadd.s32 v21, v22;
	(xrf1) =	vunique.msk.u32 vm2, v13  }
0x2c: {  	s19 =	simm.s32 $0x70;
	s20 =	simm.s32 $0x170;
	vm5 =	veq.s32 v27, v1;
	v25 =	vadd.s32 v20, v2;
	v23, _, _ =	vpop (xrf0);
	v20 =	vadd.s32 v19, v18;
	(xrf0) =	vadd.scan.msk.s32 $0xffff, v26  }
0x2d: {  	s21 =	simm.s32 $0x4C0;
	s18 =	simm.s32 $0x4C0;
	s17 =	simm.s32 $0xF0;
	v22 =	vsel vm5, $0x1, v2;
	v26 =	vand.u32 $0x1F, v10;
	(xrf1) =	vunique.msk.u32 vm5, v14;
	v18 =	vadd.s32 v20, v24;
	v24, _, _ =	vpop (xrf0)  }
.LBB2_2:
0x2e: {  	p0 =	sne.s32 s20, $0x3FF0  }
0x2f: {  	s21 =	sadd.s32 $0x80, s21;
	vm7 =	veq.s32 v26, v1;
	v26, _, _ =	vpop (xrf0);
	s22 =	smov.u32 s20;
	s20 =	sadd.s32 $0x80, s20  }
0x30: {  	v27 =	vsel vm7, $0x1, v2;
	_, v28, vm9 =	vpop (xrf1);
	(xrf1) =	vunique.msk.u32 vm7, v10  }
0x31: {  	v17 =	vshra.s32 v17, $0x5;
	v28, _, _ =	vpop (xrf0)  }
0x32: {  	v25 =	vadd.s32 $0xFFFFFFFF, v25;
	_, v29, vm10 =	vpop (xrf1)  }
0x33: {  	v16 =	vshra.s32 v16, $0x5;
	v21 =	vadd.s32 v21, v23;
	v23 =	vadd.s32 v18, v28;
	v28, _, _ =	vpop (xrf0);
	(xrf0) =	vadd.scan.msk.s32 $0xffff, v27  }
0x34: {  	s23 =	sadd.s32 $0xFFFFFF90, s19;
	v15 =	vshra.s32 v15, $0x5;
	v21 =	vadd.s32 $0xFFFFFFFF, v21;
	v27 =	vmpcnt.ones.xlane vm1;
	_, v29, vm11 =	vpop (xrf1)  }
0x35: {  	v19 =	vadd.s32 v19, v24;
	v26 =	vadd.s32 v20, v26;
	v29 =	vor.u32 s23, v0;
	_, v24, vm8 =	vpop (xrf1);
	(xrf0) =	vadd.scan.msk.s32 $0xffff, v22  }
0x36: {  	s23 =	sadd.s32 $0xFFFFFFA0, s19;
	v18 =	vadd.s32 v18, v27;
	[tilespmem:v17+s12+$0x0] =	vst.idx.msk vm9, v29;
	v17 =	vadd.s32 $0xFFFFFFFF, v19  }
0x37: {  	v12 =	vshra.s32 v12, $0x5;
	v19 =	vor.u32 s23, v0;
	v22 =	vadd.s32 v18, v28;
	[tilespmem:v25+s13+$0x0] =	vst.idx.msk vm6, v29  }
0x38: {  	v14 =	vshra.s32 v14, $0x5;
	s23 =	sadd.s32 $0xFFFFFFB0, s19;
	[tilespmem:v16+s12+$0x0] =	vst.idx.msk vm10, v19;
	v16 =	vadd.s32 $0xFFFFFFFF, v26;
	_, v20, vm6 =	vpop (xrf1)  }
0x39: {  	v11 =	vshra.s32 v11, $0x5;
	v25 =	vmpcnt.ones.xlane vm2;
	[tilespmem:v21+s13+$0x0] =	vst.idx.msk vm4, v19;
	v19 =	vor.u32 s23, v0;
	v21, _, _ =	vpop (xrf0)  }
0x3a: {  	v13 =	vshra.s32 v13, $0x5;
	s23 =	sadd.s32 $0xFFFFFFC0, s19;
	[tilespmem:v15+s12+$0x0] =	vst.idx.msk vm11, v19;
	v15 =	vadd.s32 $0xFFFFFFFF, v23;
	v23 =	vmpcnt.ones.xlane vm5;
	_, v24, vm4 =	vpop (xrf1)  }
0x3b: {  	v18 =	vadd.s32 v18, v25;
	[tilespmem:v17+s13+$0x0] =	vst.idx.msk vm3, v19;
	v17 =	vor.u32 s23, v0;
	v24 =	vmpcnt.ones.xlane vm7;
	v20, _, _ =	vpop (xrf0)  }
0x3c: {  	s23 =	sadd.s32 $0xFFFFFFD0, s19;
	[tilespmem:v12+s12+$0x0] =	vst.idx.msk vm8, v17;
	v12 =	vadd.s32 $0xFFFFFFFF, v22;
	v20 =	vadd.s32 v18, v20;
	v18 =	vadd.s32 v18, v23;
	_, v22, vm3 =	vpop (xrf1)  }
0x3d: {  	[tilespmem:v16+s13+$0x0] =	vst.idx.msk vm0, v17;
	v16 =	vor.u32 s23, v0;
	v17 =	vadd.s32 v18, v21;
	v18 =	vadd.s32 v18, v24  }
0x3e: {  	s23 =	sadd.s32 $0xFFFFFFE0, s19;
	[tilespmem:v11+s12+$0x0] =	vst.idx.msk vm6, v16;
	v11 =	vadd.s32 $0xFFFFFFFF, v20;
	_, v19, vm0 =	vpop (xrf1)  }
0x3f: {  	v10 =	vshra.s32 v10, $0x5;
	[tilespmem:v15+s13+$0x0] =	vst.idx.msk vm1, v16;
	v15 =	vor.u32 s23, v0  }
0x40: {  	s23 =	sadd.s32 $0xFFFFFFF0, s19;
	[tilespmem:v13+s12+$0x0] =	vst.idx.msk vm4, v15;
	v13 =	vadd.s32 $0xFFFFFFFF, v17  }
0x41: {  	[tilespmem:v12+s13+$0x0] =	vst.idx.msk vm2, v15;
	v12 =	vor.u32 s23, v0  }
0x42: {  	[tilespmem:v14+s12+$0x0] =	vst.idx.msk vm3, v12  }
0x43: {  	[tilespmem:v11+s13+$0x0] =	vst.idx.msk vm5, v12;
	v11 =	vor.u32 s19, v0;
	s19 =	smov.u32 s17;
	s17 =	smov.u32 s22  }
0x44: {  	[tilespmem:v10+s12+$0x0] =	vst.idx.msk vm0, v11  }
0x45: {  	[tilespmem:v13+s13+$0x0] =	vst.idx.msk vm7, v11  }
0x46: {  	v17 =	vld [tilespmem:s18+$0xFFFFFFC0]  }
0x47: {  	v16 =	vld [tilespmem:s18+$0xFFFFFFD0];
	_ =	sdelay $0x1  }
0x48: {  	v15 =	vld [tilespmem:s18+$0xFFFFFFE0]  }
0x49: {  	v12 =	vld [tilespmem:s18+$0xFFFFFFF0]  }
0x4a: {  	v10 =	vand.u32 $0x1F, v17  }
0x4b: {  	vm6 =	veq.s32 v10, v1;
	v10 =	vand.u32 $0x1F, v16  }
0x4c: {  	v13 =	vsel vm6, $0x1, v2;
	vm4 =	veq.s32 v10, v1;
	v11 =	vld [tilespmem:s18+$0x0];
	v19 =	vmpcnt.ones.xlane vm6;
	(xrf1) =	vunique.msk.u32 vm6, v17  }
0x4d: {  	v10 =	vsel vm4, $0x1, v2;
	v14 =	vand.u32 $0x1F, v15;
	v20 =	vmpcnt.ones.xlane vm4;
	(xrf0) =	vadd.scan.msk.s32 $0xffff, v13  }
0x4e: {  	vm3 =	veq.s32 v14, v1;
	v13 =	vand.u32 $0x1F, v12;
	(xrf1) =	vunique.msk.u32 vm4, v16  }
0x4f: {  	v21 =	vsel vm3, $0x1, v2;
	vm0 =	veq.s32 v13, v1;
	v13 =	vld [tilespmem:s18+$0x10];
	v22 =	vmpcnt.ones.xlane vm3;
	(xrf0) =	vadd.scan.msk.s32 $0xffff, v10  }
0x50: {  	v23 =	vsel vm0, $0x1, v2;
	v24 =	vmpcnt.ones.xlane vm0;
	(xrf1) =	vunique.msk.u32 vm3, v15  }
0x51: {  	v10 =	vand.u32 $0x1F, v11;
	v14 =	vld [tilespmem:s18+$0x20];
	(xrf1) =	vunique.msk.u32 vm0, v12  }
0x52: {  	vm1 =	veq.s32 v10, v1;
	(xrf0) =	vadd.scan.msk.s32 $0xffff, v21  }
0x53: {  	v26 =	vsel vm1, $0x1, v2;
	v10 =	vld [tilespmem:s18+$0x30];
	v21, _, _ =	vpop (xrf0);
	(xrf0) =	vadd.scan.msk.s32 $0xffff, v23;
	s18 =	smov.u32 s21  }
.Ltmp2:
0x54: {  	v27 =	vand.u32 $0x1F, v13;
	(xrf1) =	vunique.msk.u32 vm1, v11;
	(pc) =	sbr.rel @p0 .LBB2_2-.Ltmp2, $4  }
0x55: {  	v25 =	vadd.s32 v21, v18;
	v21 =	vadd.s32 v18, v19;
	vm2 =	veq.s32 v27, v1;
	v23, _, _ =	vpop (xrf0);
	(xrf0) =	vadd.scan.msk.s32 $0xffff, v26  }
0x56: {  	v19 =	vadd.s32 v21, v20;
	v18 =	vsel vm2, $0x1, v2;
	v26 =	vand.u32 $0x1F, v14;
	(xrf1) =	vunique.msk.u32 vm2, v13  }
0x57: {  	v20 =	vadd.s32 v19, v22;
	vm5 =	veq.s32 v26, v1;
	(xrf0) =	vadd.scan.msk.s32 $0xffff, v18  }
0x58: {  	v18 =	vadd.s32 v20, v24;
	v22 =	vsel vm5, $0x1, v2;
	v26 =	vand.u32 $0x1F, v10;
	v24, _, _ =	vpop (xrf0);
	(xrf1) =	vunique.msk.u32 vm5, v14  }
0x59: {  	vm7 =	veq.s32 v26, v1  }
0x5a: {  	_, v57, vm9 =	vpop (xrf1);
	(xrf1) =	vunique.msk.u32 vm7, v10  }
0x5b: {  	v17 =	vshra.s32 v17, $0x5  }
0x5c: {  	v25 =	vadd.s32 $0xFFFFFFFF, v25;
	v26 =	vsel vm7, $0x1, v2;
	_, v27, vm10 =	vpop (xrf1)  }
0x5d: {  	v16 =	vshra.s32 v16, $0x5;
	v21 =	vadd.s32 v21, v23;
	(xrf0) =	vadd.scan.msk.s32 $0xffff, v26;
	v27, _, _ =	vpop (xrf0)  }
0x5e: {  	s20 =	sadd.s32 $0xFFFFFF90, s19;
	v21 =	vadd.s32 $0xFFFFFFFF, v21;
	_, v58, vm11 =	vpop (xrf1)  }
0x5f: {  	v15 =	vshra.s32 v15, $0x5;
	v19 =	vadd.s32 v19, v24;
	v59 =	vor.u32 s20, v0;
	(xrf0) =	vadd.scan.msk.s32 $0xffff, v22;
	v23, _, _ =	vpop (xrf0)  }
0x60: {  	s23 =	sadd.s32 $0xFFFFFFA0, s19;
	v61 =	vadd.s32 $0xFFFFFFFF, v19;
	_, v60, vm8 =	vpop (xrf1);
	[tilespmem:v17+s12+$0x0] =	vst.idx.msk vm9, v59  }
0x61: {  	v12 =	vshra.s32 v12, $0x5;
	v22 =	vor.u32 s23, v0;
	v20 =	vadd.s32 v20, v27;
	v62, _, _ =	vpop (xrf0);
	[tilespmem:v25+s13+$0x0] =	vst.idx.msk vm6, v59  }
0x62: {  	v63 =	vmpcnt.ones.xlane vm1;
	s24 =	sadd.s32 $0xFFFFFFB0, s19;
	v25 =	vadd.s32 $0xFFFFFFFF, v20;
	v20 =	vadd.s32 v18, v23;
	[tilespmem:v16+s12+$0x0] =	vst.idx.msk vm10, v22;
	_, v26, vm15 =	vpop (xrf1)  }
0x63: {  	v11 =	vshra.s32 v11, $0x5;
	v27 =	vor.u32 s24, v0;
	v28, _, _ =	vpop (xrf0);
	[tilespmem:v21+s13+$0x0] =	vst.idx.msk vm4, v22  }
0x64: {  	v30 =	vmpcnt.ones.xlane vm2;
	s25 =	sadd.s32 $0xFFFFFFC0, s19;
	v29 =	vadd.s32 v18, v63;
	v31 =	vadd.s32 $0xFFFFFFFF, v20;
	[tilespmem:v15+s12+$0x0] =	vst.idx.msk vm11, v27;
	_, v32, vm9 =	vpop (xrf1)  }
0x65: {  	v13 =	vshra.s32 v13, $0x5;
	v33 =	vor.u32 s25, v0;
	v19 =	vadd.s32 v29, v62;
	v20, _, _ =	vpop (xrf0);
	[tilespmem:v61+s13+$0x0] =	vst.idx.msk vm3, v27  }
0x66: {  	v34 =	vmpcnt.ones.xlane vm5;
	s26 =	sadd.s32 $0xFFFFFFD0, s19;
	v18 =	vadd.s32 v29, v30;
	v35 =	vadd.s32 $0xFFFFFFFF, v19;
	[tilespmem:v12+s12+$0x0] =	vst.idx.msk vm8, v33;
	_, v36, vm10 =	vpop (xrf1)  }
0x67: {  	v14 =	vshra.s32 v14, $0x5;
	v37 =	vor.u32 s26, v0;
	v19 =	vadd.s32 v18, v20;
	[tilespmem:v25+s13+$0x0] =	vst.idx.msk vm0, v33  }
0x68: {  	s28 =	sadd.s32 $0xFFFFFFE0, s19;
	v38 =	vadd.s32 v18, v34;
	[tilespmem:v11+s12+$0x0] =	vst.idx.msk vm15, v37;
	v11 =	vadd.s32 $0xFFFFFFFF, v19;
	_, v39, vm11 =	vpop (xrf1)  }
0x69: {  	v40 =	vor.u32 s28, v0;
	v10 =	vshra.s32 v10, $0x5;
	v18 =	vadd.s32 v38, v28;
	[tilespmem:v31+s13+$0x0] =	vst.idx.msk vm1, v37  }
0x6a: {  	s29 =	sadd.s32 $0xFFFFFFF0, s19;
	v41 =	vadd.s32 $0xFFFFFFFF, v18;
	[tilespmem:v13+s12+$0x0] =	vst.idx.msk vm9, v40  }
0x6b: {  	v42 =	vor.u32 s29, v0;
	[tilespmem:v35+s13+$0x0] =	vst.idx.msk vm2, v40  }
0x6c: {  	[tilespmem:v14+s12+$0x0] =	vst.idx.msk vm10, v42  }
0x6d: {  	[tilespmem:v11+s13+$0x0] =	vst.idx.msk vm5, v42;
	v11 =	vor.u32 s19, v0  }
0x6e: {  	[tilespmem:v10+s12+$0x0] =	vst.idx.msk vm11, v11  }
0x6f: {  	[tilespmem:v41+s13+$0x0] =	vst.idx.msk vm7, v11  }
0x70: {  	v10 =	vld [tilespmem:s18+$0xFFFFFFC0]  }
0x71: {  	v11 =	vld [tilespmem:s18+$0xFFFFFFD0]  }
0x72: {  	v12 =	vld [tilespmem:s18+$0xFFFFFFE0]  }
0x73: {  	v14 =	vld [tilespmem:s18+$0xFFFFFFF0]  }
0x74: {  	v16 =	vld [tilespmem:s18+$0x0]  }
0x75: {  	v18 =	vld [tilespmem:s18+$0x10]  }
0x76: {  	v15 =	vld [tilespmem:s18+$0x20]  }
0x77: {  	v43 =	vmpcnt.ones.xlane vm7;
	v25 =	vld [tilespmem:s18+$0x30];
	_ =	sdelay $0x1  }
0x78: {  	v13 =	vadd.s32 v38, v43  }
0x79: {  	v44 =	vand.u32 $0x1F, v10;
	v45 =	vand.u32 $0x1F, v11;
	v47 =	vand.u32 $0x1F, v12  }
0x7a: {  	v51 =	vand.u32 $0x1F, v14;
	v54 =	vand.u32 $0x1F, v16;
	v58 =	vand.u32 $0x1F, v18  }
0x7b: {  	v59 =	vand.u32 $0x1F, v15;
	v62 =	vand.u32 $0x1F, v25;
	vm12 =	veq.s32 v44, v1  }
0x7c: {  	vm6 =	veq.s32 v45, v1;
	vm5 =	veq.s32 v47, v1;
	vm3 =	veq.s32 v51, v1  }
0x7d: {  	vm2 =	veq.s32 v54, v1;
	vm0 =	veq.s32 v58, v1;
	v48 =	vmpcnt.ones.xlane vm12  }
0x7e: {  	vm1 =	veq.s32 v59, v1;
	v46 =	vsel vm12, $0x1, v2;
	v50 =	vmpcnt.ones.xlane vm6;
	(xrf1) =	vunique.msk.u32 vm12, v10  }
0x7f: {  	vm4 =	veq.s32 v62, v1;
	v53 =	vmpcnt.ones.xlane vm5;
	(xrf0) =	vadd.scan.msk.s32 $0xffff, v46;
	v19 =	vadd.s32 v13, v48  }
0x80: {  	v49 =	vsel vm6, $0x1, v2;
	v56 =	vmpcnt.ones.xlane vm3;
	(xrf1) =	vunique.msk.u32 vm6, v11;
	v21 =	vadd.s32 v19, v50  }
0x81: {  	v52 =	vsel vm5, $0x1, v2;
	v61 =	vmpcnt.ones.xlane vm2;
	(xrf0) =	vadd.scan.msk.s32 $0xffff, v49;
	v60 =	vadd.s32 v21, v53  }
0x82: {  	v55 =	vsel vm3, $0x1, v2;
	v35 =	vmpcnt.ones.xlane vm0;
	(xrf0) =	vadd.scan.msk.s32 $0xffff, v52;
	v63 =	vadd.s32 v60, v56  }
0x83: {  	v57 =	vsel vm2, $0x1, v2;
	v36 =	vmpcnt.ones.xlane vm1;
	(xrf0) =	vadd.scan.msk.s32 $0xffff, v55;
	v22 =	vadd.s32 v63, v61  }
0x84: {  	v37 =	vsel vm0, $0x1, v2;
	v39 =	vmpcnt.ones.xlane vm4;
	(xrf0) =	vadd.scan.msk.s32 $0xffff, v57;
	v38 =	vadd.s32 v22, v35  }
0x85: {  	v40 =	vsel vm4, $0x1, v2;
	(xrf0) =	vadd.scan.msk.s32 $0xffff, v37;
	v23 =	vadd.s32 v38, v36  }
0x86: {  	v29 =	vsel vm1, $0x1, v2;
	v28, _, _ =	vpop (xrf0);
	(xrf0) =	vadd.scan.msk.s32 $0xffff, v40;
	v41 =	vadd.s32 v23, v39  }
0x87: {  	v42, _, _ =	vpop (xrf0);
	(xrf0) =	vadd.scan.msk.s32 $0xffff, v29;
	v17 =	vxor.u32 $0x80000000, v41  }
0x88: {  	v43, _, _ =	vpop (xrf0);
	(xrf0) =	vmax.scan.msk.u32 $0xffff, v17  }
0x89: {  	(xrf1) =	vunique.msk.u32 vm5, v12;
	v44, _, _ =	vpop (xrf0)  }
0x8a: {  	(xrf1) =	vunique.msk.u32 vm3, v14;
	v30, _, _ =	vpop (xrf0)  }
0x8b: {  	v31, _, _ =	vpop (xrf0)  }
0x8c: {  	v32, _, _ =	vpop (xrf0)  }
0x8d: {  	(xrf1) =	vunique.msk.u32 vm2, v16;
	v33, _, _ =	vpop (xrf0)  }
0x8e: {  	v34, _, _ =	vpop (xrf0)  }
0x8f: {  	(xrf1) =	vunique.msk.u32 vm0, v18;
	(v2sf) =	vpush v34, $0xF;
	_ =	sdelay $0x1  }
0x90: {  	(xrf1) =	vunique.msk.u32 vm1, v15  }
0x91: {  	_, v45, vm13 =	vpop (xrf1)  }
0x92: {  	v10 =	vshra.s32 v10, $0x5;
	(xrf1) =	vunique.msk.u32 vm4, v25  }
0x93: {  	v13 =	vadd.s32 v28, v13  }
0x94: {  	v13 =	vadd.s32 $0xFFFFFFFF, v13;
	_, v46, vm14 =	vpop (xrf1)  }
0x95: {  	s30 =	sadd.s32 $0xFFFFFF90, s17;
	v11 =	vshra.s32 v11, $0x5;
	v19 =	vadd.s32 v19, v42  }
0x96: {  	v27 =	vor.u32 s30, v0;
	v19 =	vadd.s32 $0xFFFFFFFF, v19;
	_, v47, vm15 =	vpop (xrf1)  }
0x97: {  	v12 =	vshra.s32 v12, $0x5;
	v21 =	vadd.s32 v21, v43;
	[tilespmem:v10+s12+$0x0] =	vst.idx.msk vm13, v27;
	_, v10, vm8 =	vpop (xrf1)  }
0x98: {  	s31 =	sadd.s32 $0xFFFFFFA0, s17;
	v10 =	vadd.s32 $0xFFFFFFFF, v21  }
0x99: {  	v48 =	vor.u32 s31, v0;
	v14 =	vshra.s32 v14, $0x5;
	v17 =	vadd.s32 v60, v44;
	[tilespmem:v13+s13+$0x0] =	vst.idx.msk vm12, v27  }
0x9a: {  	s19 =	sadd.s32 $0xFFFFFFB0, s17;
	_, v49, vm12 =	vpop (xrf1);
	[tilespmem:v11+s12+$0x0] =	vst.idx.msk vm14, v48;
	v11 =	vadd.s32 $0xFFFFFFFF, v17  }
0x9b: {  	v50 =	vor.u32 s19, v0;
	v16 =	vshra.s32 v16, $0x5;
	v17 =	vadd.s32 v63, v30;
	[tilespmem:v19+s13+$0x0] =	vst.idx.msk vm6, v48  }
0x9c: {  	s20 =	sadd.s32 $0xFFFFFFC0, s17;
	_, v52, vm13 =	vpop (xrf1);
	v51 =	vadd.s32 $0xFFFFFFFF, v17;
	[tilespmem:v12+s12+$0x0] =	vst.idx.msk vm15, v50  }
0x9d: {  	v18 =	vshra.s32 v18, $0x5;
	v17 =	vadd.s32 v22, v31;
	[tilespmem:v10+s13+$0x0] =	vst.idx.msk vm5, v50;
	v10 =	vor.u32 s20, v0;
	s21 =	spop (v2sf)  }
0x9e: {  	s22 =	sadd.s32 $0xFFFFFFD0, s17;
	_, v54, vm14 =	vpop (xrf1);
	v53 =	vadd.s32 $0xFFFFFFFF, v17;
	[tilespmem:v14+s12+$0x0] =	vst.idx.msk vm8, v10;
	s20 =	sadd.s32 $0x7FFFFFFF, s21  }
0x9f: {  	v55 =	vadd.s32 v38, v33;
	v14 =	vshra.s32 v15, $0x5;
	[tilespmem:v11+s13+$0x0] =	vst.idx.msk vm3, v10;
	v10 =	vor.u32 s22, v0;
	p0 =	sgt.s32 s20, $0x0  }
0xa0: {  	s23 =	sadd.s32 $0xFFFFFFE0, s17;
	v57 =	vshra.s32 v25, $0x5;
	v15 =	vadd.s32 $0xFFFFFFFF, v55;
	_, v56, vm15 =	vpop (xrf1);
	[tilespmem:v16+s12+$0x0] =	vst.idx.msk vm12, v10;
	s20 =	simm.s32 @!p0 $0x0  }
0xa1: {  	v11 =	vadd.s32 v23, v32;
	[tilespmem:v51+s13+$0x0] =	vst.idx.msk vm2, v10;
	v10 =	vor.u32 s23, v0;
	v16 =	vmov s20  }
0xa2: {  	s24 =	sadd.s32 $0xFFFFFFF0, s17;
	v11 =	vadd.s32 $0xFFFFFFFF, v11;
	[tilespmem:v18+s12+$0x0] =	vst.idx.msk vm13, v10;
	v16 =	vbroadcast v16, $0x0  }
0xa3: {  	[tilespmem:v53+s13+$0x0] =	vst.idx.msk vm0, v10;
	v10 =	vor.u32 s24, v0  }
0xa4: {  	[tilespmem:v14+s12+$0x0] =	vst.idx.msk vm14, v10  }
0xa5: {  	[tilespmem:v15+s13+$0x0] =	vst.idx.msk vm1, v10;
	v10 =	vor.u32 s17, v0  }
0xa6: {  	[tilespmem:v57+s12+$0x0] =	vst.idx.msk vm15, v10  }
0xa7: {  	s17 =	sxor.u32 $0x80000000, s21;
	[tilespmem:v11+s13+$0x0] =	vst.idx.msk vm4, v10  }
0xa8: {  	s25 =	sadd.s32 $0x80000010, s21;
	v11 =	vadd.s32 s17, v0;
	v10 =	vld.idx.msk [tilespmem:v16+s13+$0x0], $0xffff  }
0xa9: {  	s26 =	sadd.s32 $0x80000020, s21;
	v58 =	vadd.s32 s25, v0  }
0xaa: {  	s28 =	sadd.s32 $0x80000030, s21;
	v59 =	vadd.s32 s26, v0  }
0xab: {  	s29 =	sadd.s32 $0x80000040, s21;
	v60 =	vadd.s32 s28, v0  }
0xac: {  	s30 =	sadd.s32 $0x80000050, s21;
	v61 =	vadd.s32 s29, v0  }
0xad: {  	s31 =	sadd.s32 $0x80000060, s21;
	[tilespmem:v11+s13+$0x0] =	vst.idx.msk $0xffff, v10;
	v11 =	vadd.s32 s30, v0  }
0xae: {  	s18 =	sadd.s32 $0x80000070, s21;
	v62 =	vadd.s32 s31, v0;
	[tilespmem:v58+s13+$0x0] =	vst.idx.msk $0xffff, v10  }
0xaf: {  	v63 =	vadd.s32 s18, v0;
	p0 =	slt.s32 s17, $0x1;
	[tilespmem:v59+s13+$0x0] =	vst.idx.msk $0xffff, v10  }
.Ltmp3:
0xb0: {  	[tilespmem:v60+s13+$0x0] =	vst.idx.msk $0xffff, v10;
	(pc) =	sbr.rel @p0 .LBB2_8-.Ltmp3, $4  }
0xb1: {  	[tilespmem:v61+s13+$0x0] =	vst.idx.msk $0xffff, v10  }
0xb2: {  	[tilespmem:v11+s13+$0x0] =	vst.idx.msk $0xffff, v10  }
0xb3: {  	[tilespmem:v62+s13+$0x0] =	vst.idx.msk $0xffff, v10  }
0xb4: {  	[tilespmem:v63+s13+$0x0] =	vst.idx.msk $0xffff, v10  }
0xb5: {  	_ =	sdelay $0x3  }
0xb6: {  	v10 =	vld.idx.msk [tilespmem:v0+s13+$0x0], $0xffff;
	_ =	sdelay $0x7  }
0xb7: {  	v11 =	vld.idx.msk [tilespmem:v10+s11+$0x0], $0xffff;
	_ =	sdelay $0x4  }
0xb8: {  	v11 =	vshra.s32 v11, $0x5;
	_ =	sdelay $0x4  }
0xb9: {  	v11 =	vld.idx.msk [tilespmem:v11+s12+$0x0], $0xffff;
	_ =	sdelay $0x3  }
0xba: {  	[tilespmem:$0xFE98] =	vst v10  }
0xbb: {  	[tilespmem:$0xFF98] =	vst v11  }
0xbc: {  	v10 =	vld.idx.msk [tilespmem:v3+s13+$0x0], $0xffff;
	_ =	sdelay $0x7  }
0xbd: {  	v11 =	vld.idx.msk [tilespmem:v10+s11+$0x0], $0xffff;
	_ =	sdelay $0x4  }
0xbe: {  	v11 =	vshra.s32 v11, $0x5;
	_ =	sdelay $0x4  }
0xbf: {  	v11 =	vld.idx.msk [tilespmem:v11+s12+$0x0], $0xffff;
	_ =	sdelay $0x3  }
0xc0: {  	[tilespmem:$0xFEA8] =	vst v10  }
0xc1: {  	[tilespmem:$0xFFA8] =	vst v11  }
0xc2: {  	v10 =	vld.idx.msk [tilespmem:v4+s13+$0x0], $0xffff;
	_ =	sdelay $0x7  }
0xc3: {  	v11 =	vld.idx.msk [tilespmem:v10+s11+$0x0], $0xffff;
	_ =	sdelay $0x4  }
0xc4: {  	v11 =	vshra.s32 v11, $0x5;
	_ =	sdelay $0x4  }
0xc5: {  	v11 =	vld.idx.msk [tilespmem:v11+s12+$0x0], $0xffff;
	_ =	sdelay $0x3  }
0xc6: {  	[tilespmem:$0xFEB8] =	vst v10  }
0xc7: {  	[tilespmem:$0xFFB8] =	vst v11  }
0xc8: {  	v10 =	vld.idx.msk [tilespmem:v5+s13+$0x0], $0xffff;
	_ =	sdelay $0x7  }
0xc9: {  	v11 =	vld.idx.msk [tilespmem:v10+s11+$0x0], $0xffff;
	_ =	sdelay $0x4  }
0xca: {  	v11 =	vshra.s32 v11, $0x5;
	_ =	sdelay $0x4  }
0xcb: {  	v11 =	vld.idx.msk [tilespmem:v11+s12+$0x0], $0xffff;
	_ =	sdelay $0x3  }
0xcc: {  	[tilespmem:$0xFEC8] =	vst v10  }
0xcd: {  	[tilespmem:$0xFFC8] =	vst v11  }
0xce: {  	v10 =	vld.idx.msk [tilespmem:v6+s13+$0x0], $0xffff;
	_ =	sdelay $0x7  }
0xcf: {  	v11 =	vld.idx.msk [tilespmem:v10+s11+$0x0], $0xffff;
	_ =	sdelay $0x4  }
0xd0: {  	v11 =	vshra.s32 v11, $0x5;
	_ =	sdelay $0x4  }
0xd1: {  	v11 =	vld.idx.msk [tilespmem:v11+s12+$0x0], $0xffff;
	_ =	sdelay $0x3  }
0xd2: {  	[tilespmem:$0xFED8] =	vst v10  }
0xd3: {  	[tilespmem:$0xFFD8] =	vst v11  }
0xd4: {  	v10 =	vld.idx.msk [tilespmem:v7+s13+$0x0], $0xffff;
	_ =	sdelay $0x7  }
0xd5: {  	v11 =	vld.idx.msk [tilespmem:v10+s11+$0x0], $0xffff;
	_ =	sdelay $0x4  }
0xd6: {  	v11 =	vshra.s32 v11, $0x5;
	_ =	sdelay $0x4  }
0xd7: {  	v11 =	vld.idx.msk [tilespmem:v11+s12+$0x0], $0xffff;
	_ =	sdelay $0x3  }
0xd8: {  	[tilespmem:$0xFEE8] =	vst v10  }
0xd9: {  	[tilespmem:$0xFFE8] =	vst v11  }
0xda: {  	v10 =	vld.idx.msk [tilespmem:v8+s13+$0x0], $0xffff;
	_ =	sdelay $0x7  }
0xdb: {  	v11 =	vld.idx.msk [tilespmem:v10+s11+$0x0], $0xffff;
	_ =	sdelay $0x4  }
0xdc: {  	v11 =	vshra.s32 v11, $0x5;
	_ =	sdelay $0x4  }
0xdd: {  	v11 =	vld.idx.msk [tilespmem:v11+s12+$0x0], $0xffff;
	_ =	sdelay $0x3  }
0xde: {  	[tilespmem:$0xFEF8] =	vst v10  }
0xdf: {  	[tilespmem:$0xFFF8] =	vst v11  }
0xe0: {  	v10 =	vld.idx.msk [tilespmem:v9+s13+$0x0], $0xffff;
	_ =	sdelay $0x7  }
0xe1: {  	v11 =	vld.idx.msk [tilespmem:v10+s11+$0x0], $0xffff;
	_ =	sdelay $0x4  }
0xe2: {  	v11 =	vshra.s32 v11, $0x5;
	_ =	sdelay $0x4  }
0xe3: {  	v11 =	vld.idx.msk [tilespmem:v11+s12+$0x0], $0xffff;
	_ =	sdelay $0x1  }
.Ltmp4:
0xe4: {  	_ = 	snop;
	(pc) =	sbr.rel .LBB2_5-.Ltmp4, $4  }
0xe5: {  	_ = 	snop  }
0xe6: {  	[tilespmem:$0xFF08] =	vst v10  }
0xe7: {  	s18 =	simm.s32 $0x80;
	s20 =	simm.s32 $0x0;
	[tilespmem:$0x10008] =	vst v11  }
0xe8: {  	[tilespmem:s15], [sflag:$0x1] =	stream.indirect.gather [hbm4b:s1+s18], $0x40, s14, s18, $0xb8;
	[tilespmem:$0x14098] =	vst v63  }
.LBB2_7:
0xe9: {  	s21 =	sshrl.u32 s20, $0x1F  }
0xea: {  	s21 =	sadd.s32 s21, s20  }
0xeb: {  	s21 =	sand.u32 $0xFFFFFFFE, s21  }
0xec: {  	s29 =	ssub.s32 s20, s21  }
0xed: {  	p0 =	slt.s32 s18, s17;
	s21 =	sadd.s32 $0x1, s29;
	s22 =	sshll.u32 s29, $0xF  }
0xee: {  	s20 =	sshll.u32 s29, $0x9;
	_ =	swait.ge [sflag:s21], $0x2000;
	s22 =	sshra.s32 s22, $0x2  }
0xef: {  	s20 =	sshra.s32 s20, $0x2;
	[sflag:s21] =	ssyncset.done $0x0;
	s30 =	sadd.s32 $0x10098, s22  }
.Ltmp5:
0xf0: {  	s20 =	sadd.s32 $0xFE98, s20;
	[sflag:s21] =	ssyncadd.s32 $0xFFFFE000;
	(pc) =	sbr.rel @!p0 .LBB2_8-.Ltmp5, $4  }
0xf1: {  	[hbm4b:s5+s16] =	stream.indirect.scatter [tilespmem:s30], [sflag:$0x3], $0x40, s20, s16, $0xb8;
	[tilespmem:$0x14098] =	vst v63  }
0xf2: {  	_ =	swait.ge [sflag:s10], $0x2000  }
0xf3: {  	s31 =	sadd.s32 $0x80, s18;
	[sflag:s10] =	ssyncset.done $0x0  }
0xf4: {  	s18 =	smov.u32 s31;
	s20 =	smov.u32 s19;
	[sflag:s10] =	ssyncadd.s32 $0xFFFFE000  }
.LBB2_5:
0xf5: {  	p0 =	sge.s32 s18, s17  }
.Ltmp6:
0xf6: {  	_ = 	snop;
	(pc) =	sbr.rel @p0 .LBB2_7-.Ltmp6, $2  }
0xf7: {  	_ =	sdelay $0x2  }
0xf8: {  	s19 =	sadd.s32 $0x1, s20  }
0xf9: {  	v10 =	vor.u32 s18, v0;
	_ =	sdelay $0x4  }
0xfa: {  	v10 =	vld.idx.msk [tilespmem:v10+s13+$0x0], $0xffff;
	_ =	sdelay $0x7  }
0xfb: {  	v11 =	vld.idx.msk [tilespmem:v10+s11+$0x0], $0xffff;
	_ =	sdelay $0x4  }
0xfc: {  	v11 =	vshra.s32 v11, $0x5;
	_ =	sdelay $0x3  }
0xfd: {  	s21 =	sshrl.u32 s19, $0x1F  }
0xfe: {  	s22 =	sadd.s32 $0x10, s18;
	s21 =	sadd.s32 s21, s19;
	v11 =	vld.idx.msk [tilespmem:v11+s12+$0x0], $0xffff  }
0xff: {  	v12 =	vor.u32 s22, v0;
	s21 =	sand.u32 $0xFFFFFFFE, s21  }
0x100: {  	s21 =	ssub.s32 s19, s21  }
0x101: {  	s31 =	sshll.u32 s21, $0x7  }
0x102: {  	[tilespmem:s31+$0xFE98] =	vst v10  }
0x103: {  	[tilespmem:s31+$0xFF98] =	vst v11  }
0x104: {  	v10 =	vld.idx.msk [tilespmem:v12+s13+$0x0], $0xffff;
	_ =	sdelay $0x7  }
0x105: {  	v11 =	vld.idx.msk [tilespmem:v10+s11+$0x0], $0xffff;
	_ =	sdelay $0x4  }
0x106: {  	v11 =	vshra.s32 v11, $0x5;
	_ =	sdelay $0x4  }
0x107: {  	s23 =	sadd.s32 $0x20, s18;
	v11 =	vld.idx.msk [tilespmem:v11+s12+$0x0], $0xffff  }
0x108: {  	v58 =	vor.u32 s23, v0;
	_ =	sdelay $0x2  }
0x109: {  	[tilespmem:s31+$0xFEA8] =	vst v10  }
0x10a: {  	[tilespmem:s31+$0xFFA8] =	vst v11  }
0x10b: {  	v10 =	vld.idx.msk [tilespmem:v58+s13+$0x0], $0xffff;
	_ =	sdelay $0x7  }
0x10c: {  	v11 =	vld.idx.msk [tilespmem:v10+s11+$0x0], $0xffff;
	_ =	sdelay $0x4  }
0x10d: {  	v11 =	vshra.s32 v11, $0x5;
	_ =	sdelay $0x4  }
0x10e: {  	s24 =	sadd.s32 $0x30, s18;
	v11 =	vld.idx.msk [tilespmem:v11+s12+$0x0], $0xffff  }
0x10f: {  	v59 =	vor.u32 s24, v0;
	_ =	sdelay $0x2  }
0x110: {  	[tilespmem:s31+$0xFEB8] =	vst v10  }
0x111: {  	[tilespmem:s31+$0xFFB8] =	vst v11  }
0x112: {  	v10 =	vld.idx.msk [tilespmem:v59+s13+$0x0], $0xffff;
	_ =	sdelay $0x7  }
0x113: {  	v11 =	vld.idx.msk [tilespmem:v10+s11+$0x0], $0xffff;
	_ =	sdelay $0x4  }
0x114: {  	v11 =	vshra.s32 v11, $0x5;
	_ =	sdelay $0x4  }
0x115: {  	s25 =	sadd.s32 $0x40, s18;
	v11 =	vld.idx.msk [tilespmem:v11+s12+$0x0], $0xffff  }
0x116: {  	v60 =	vor.u32 s25, v0;
	_ =	sdelay $0x2  }
0x117: {  	[tilespmem:s31+$0xFEC8] =	vst v10  }
0x118: {  	[tilespmem:s31+$0xFFC8] =	vst v11  }
0x119: {  	v10 =	vld.idx.msk [tilespmem:v60+s13+$0x0], $0xffff;
	_ =	sdelay $0x7  }
0x11a: {  	v11 =	vld.idx.msk [tilespmem:v10+s11+$0x0], $0xffff;
	_ =	sdelay $0x4  }
0x11b: {  	v11 =	vshra.s32 v11, $0x5;
	_ =	sdelay $0x4  }
0x11c: {  	s26 =	sadd.s32 $0x50, s18;
	v11 =	vld.idx.msk [tilespmem:v11+s12+$0x0], $0xffff  }
0x11d: {  	v61 =	vor.u32 s26, v0;
	_ =	sdelay $0x2  }
0x11e: {  	[tilespmem:s31+$0xFED8] =	vst v10  }
0x11f: {  	[tilespmem:s31+$0xFFD8] =	vst v11  }
0x120: {  	v10 =	vld.idx.msk [tilespmem:v61+s13+$0x0], $0xffff;
	_ =	sdelay $0x7  }
0x121: {  	v11 =	vld.idx.msk [tilespmem:v10+s11+$0x0], $0xffff;
	_ =	sdelay $0x4  }
0x122: {  	v11 =	vshra.s32 v11, $0x5;
	_ =	sdelay $0x4  }
0x123: {  	s28 =	sadd.s32 $0x60, s18;
	v11 =	vld.idx.msk [tilespmem:v11+s12+$0x0], $0xffff  }
0x124: {  	v62 =	vor.u32 s28, v0;
	_ =	sdelay $0x2  }
0x125: {  	[tilespmem:s31+$0xFEE8] =	vst v10  }
0x126: {  	[tilespmem:s31+$0xFFE8] =	vst v11  }
0x127: {  	v10 =	vld.idx.msk [tilespmem:v62+s13+$0x0], $0xffff;
	_ =	sdelay $0x7  }
0x128: {  	v11 =	vld.idx.msk [tilespmem:v10+s11+$0x0], $0xffff;
	_ =	sdelay $0x4  }
0x129: {  	v11 =	vshra.s32 v11, $0x5;
	_ =	sdelay $0x4  }
0x12a: {  	s29 =	sadd.s32 $0x70, s18;
	v11 =	vld.idx.msk [tilespmem:v11+s12+$0x0], $0xffff  }
0x12b: {  	v63 =	vor.u32 s29, v0;
	_ =	sdelay $0x2  }
0x12c: {  	[tilespmem:s31+$0xFEF8] =	vst v10  }
0x12d: {  	[tilespmem:s31+$0xFFF8] =	vst v11  }
0x12e: {  	v10 =	vld.idx.msk [tilespmem:v63+s13+$0x0], $0xffff;
	_ =	sdelay $0x7  }
0x12f: {  	v11 =	vld.idx.msk [tilespmem:v10+s11+$0x0], $0xffff;
	_ =	sdelay $0x4  }
0x130: {  	v11 =	vshra.s32 v11, $0x5;
	_ =	sdelay $0x4  }
0x131: {  	v11 =	vld.idx.msk [tilespmem:v11+s12+$0x0], $0xffff;
	_ =	sdelay $0x1  }
.Ltmp7:
0x132: {  	_ = 	snop;
	(pc) =	sbr.rel .LBB2_7-.Ltmp7, $4  }
0x133: {  	s30 =	sshll.u32 s21, $0xF  }
0x134: {  	s23 =	sshra.s32 s30, $0x2;
	[tilespmem:s31+$0xFF08] =	vst v10  }
0x135: {  	s21 =	sadd.s32 $0x1, s21;
	s24 =	sadd.s32 $0xFF98, s31;
	[tilespmem:s31+$0x10008] =	vst v11;
	s31 =	sadd.s32 $0x10098, s23  }
0x136: {  	[tilespmem:s31], [sflag:s21] =	stream.indirect.gather [hbm4b:s1+s16], $0x40, s24, s16, $0xb8;
	[tilespmem:$0x14098] =	vst v63  }
.LBB2_9:
0x137: {  	_ =	sfence.sel $0x180000  }
0x138: {  	[bflag:$0x0] =	sbarrier.arrive $0xFFFF  }
0x139: {  	p0 =	sne.s32 s3, $0x0;
	_ =	strace $0x90000047  }
0x13a: {  	s0 =	sadd.s32 @!p0 $0x100000, s0;
	[bflag:$0x2] =	sbarrier.arrive $0xFFFF  }
0x13b: {  	[sflag:s0] =	ssyncadd.tile.s32 @!p0 $0x1;
	_ =	shalt  }
.Lfunc_end2:
_tile_overlayer_lowered:
.L_overlay_start_2:
0x13c: {  	(tag) =	ssettag $0x2  }
0x13d: {  	s0 =	rddreg [dreg:$0x0];
	s2 =	stileid.u32  }
0x13e: {  	s1 =	rddreg [dreg:$0x1];
	p0 =	sne.s32 s2, $0x0  }
0x13f: {  	s3 =	rddreg [dreg:$0x2];
	[bflag:$0x3] =	sbarrier.arrive $0xFFFF;
	s2 =	simm.s32 @!p0 $0x1C03  }
0x140: {  	[timem:s3], [sflag:s2] =	dma.local @!p0 [hbm:s0], s1  }
0x141: {  	s0 =	simm.s32 @!p0 $0x3  }
0x142: {  	_ =	swait.ge @!p0 [sflag:s0], s1  }
0x143: {  	s1 =	ssub.s32 @!p0 $0x0, s1;
	[sflag:s0] =	ssyncset.done @!p0 $0x0  }
0x144: {  	[sflag:s0] =	ssyncadd.s32 @!p0 s1  }
0x145: {  	[bflag:$0x3] =	sbarrier.arrive $0xFFFF  }
0x146: {  	_ =	shalt  }

</sc_bundles>
